<compile_context>
chip_gen: v7x
topology: tpu7x:2x2x1
jax: 0.10.2.dev20260603
libtpu: 0.0.44.dev20260713+nightly
codegen_flags: <defaults>
</compile_context>

<pallas_src>
import jax
import jax.numpy as jnp
from jax import lax
from jax.experimental import pallas as pl
from jax.experimental.pallas import tpu as pltpu
from jax.experimental.pallas import tpu_sc as plsc

_NC = 2
_NS = 16
_NW = _NC * _NS
_L = 16

_ROWS = 200
_COLS = 16384
_CW = 128
_NCHUNK = _COLS // (_NW * _CW)
_NBUF = 2


def _sc_body(in_hbm, lut_hbm, out_hbm, table_v, in_v, out_v, in_sems, out_sems):
    wid = lax.axis_index("s") * _NC + lax.axis_index("c")
    base_col = wid * (_NCHUNK * _CW)

    for b in range(_NBUF):
        pltpu.async_copy(
            in_hbm.at[:, pl.ds(base_col + b * _CW, _CW)],
            in_v.at[b],
            in_sems.at[b],
        )
    pltpu.sync_copy(lut_hbm, table_v)

    @pl.loop(0, _NCHUNK, step=_NBUF)
    def _chunk_pair(c0):
        for b in range(_NBUF):
            c_col = base_col + (c0 + b) * _CW
            pltpu.make_async_copy(
                in_hbm.at[:, pl.ds(c_col, _CW)], in_v.at[b], in_sems.at[b]
            ).wait()

            @pl.when(c0 > 0)
            def _drain_prev():
                pltpu.make_async_copy(
                    out_v.at[b],
                    out_hbm.at[:, pl.ds(c_col - _NBUF * _CW, _CW)],
                    out_sems.at[b],
                ).wait()

            @plsc.parallel_loop(0, _ROWS, 1, unroll=4)
            def _gather_rows(r):
                for k in range(_CW // _L):
                    x = in_v[b, r, pl.ds(k * _L, _L)]
                    idx = plsc.bitcast((x * 255.0).astype(jnp.int32), jnp.uint32)
                    idx = plsc.bitcast(jnp.minimum(idx, 255), jnp.int32)
                    out_v[b, r, pl.ds(k * _L, _L)] = plsc.load_gather(
                        table_v, [idx]
                    )

            pltpu.async_copy(
                out_v.at[b], out_hbm.at[:, pl.ds(c_col, _CW)], out_sems.at[b]
            )

            @pl.when(c0 + _NBUF < _NCHUNK)
            def _prefetch_next():
                pltpu.async_copy(
                    in_hbm.at[:, pl.ds(c_col + _NBUF * _CW, _CW)],
                    in_v.at[b],
                    in_sems.at[b],
                )

    for c in range(_NCHUNK - _NBUF, _NCHUNK):
        b = c % _NBUF
        pltpu.make_async_copy(
            out_v.at[b],
            out_hbm.at[:, pl.ds(base_col + c * _CW, _CW)],
            out_sems.at[b],
        ).wait()


@jax.jit
def _run(inputs_t, lookup):
    mesh = plsc.VectorSubcoreMesh(core_axis_name="c", subcore_axis_name="s")
    return pl.kernel(
        _sc_body,
        out_type=jax.ShapeDtypeStruct((_ROWS, _COLS), jnp.float32),
        mesh=mesh,
        scratch_types=[
            pltpu.VMEM((256,), jnp.float32),
            pltpu.VMEM((_NBUF, _ROWS, _CW), jnp.float32),
            pltpu.VMEM((_NBUF, _ROWS, _CW), jnp.float32),
            pltpu.SemaphoreType.DMA((_NBUF,)),
            pltpu.SemaphoreType.DMA((_NBUF,)),
        ],
        compiler_params=pltpu.CompilerParams(
            needs_layout_passes=False, use_tc_tiling_on_sc=True
        ),
    )(inputs_t, lookup)


def kernel(inputs, lookup):
    return _run(inputs.T, lookup).T

# --- scband reference (transcript-rebuilt; emitter-appended) ---
"""Pipeline reference for scband-galois-mul2-layer-79577154060630 (READ-ONLY COPY).

The authoritative reference and input builder live on the scoring server;
editing this copy changes nothing except your own understanding.
"""

import jax, jax.numpy as jnp
import numpy as np


def galois_multiply(a, b):
    p = 0
    for _ in range(8):
        if b & 1:
            p ^= a
        high_bit_set = a & 128
        a <<= 1
        if high_bit_set:
            a ^= 27
        b >>= 1
    return p & 255


GF_MUL_2 = np.array([galois_multiply(i, 2) for i in range(256)], dtype=np.uint8)


def setup_inputs(seed: int = 0) -> dict:
    key = jax.random.key(seed)
    k1, _ = jax.random.split(key)
    inputs = jax.random.uniform(k1, (16384, 200), dtype=jnp.float32)
    lookup = jnp.asarray(GF_MUL_2.astype(np.float32) / 255.0)
    return {"inputs": inputs, "lookup": lookup}


def reference(inputs, lookup):
    x_scaled = (inputs * 255.0).astype(jnp.int32)
    x_clipped = jnp.clip(x_scaled, 0, 255)
    return jnp.take(lookup, x_clipped, axis=0)

if __name__ == "__main__":
    import jax
    _d = setup_inputs()
    print(jax.jit(kernel)(*tuple(_d.values())))

</pallas_src>

<mosaic_0001>
#map = affine_map<(d0, d1) -> (0, 0)>
#map1 = affine_map<(d0, d1) -> (0)>
module attributes {stable_mosaic.version = 14 : i64} {
  func.func @_sc_body(%arg0: i32, %arg1: i32, %arg2: memref<200x16384xf32, #tpu.memory_space<hbm>>, %arg3: memref<256xf32, #tpu.memory_space<hbm>>, %arg4: memref<200x16384xf32, #tpu.memory_space<hbm>>, %arg5: memref<256xf32, #tpu.memory_space<vmem>>, %arg6: memref<2x200x128xf32, #tpu.memory_space<vmem>>, %arg7: memref<2x200x128xf32, #tpu.memory_space<vmem>>, %arg8: memref<2x!tpu.dma_semaphore, #tpu.memory_space<semaphore_mem>>, %arg9: memref<2x!tpu.dma_semaphore, #tpu.memory_space<semaphore_mem>>) attributes {dimension_semantics = [#tpu.dimension_semantics<core_parallel>, #tpu.dimension_semantics<subcore_parallel>], iteration_bounds = array<i64: 2, 16>, scalar_prefetch = 0 : i64, scratch_operands = 5 : i64, tpu.core_type = #tpu.core_type<sc_vector_subcore>, window_params = [{transform_indices = #map}, {transform_indices = #map1}, {transform_indices = #map}]} {
    %mul3A = arith.constant 2 : i32
    %mul3A_0 = arith.muli %arg1, %mul3A : i32
    %add3A = arith.addi %mul3A_0, %arg0 : i32
    %mul3A_1 = arith.constant 512 : i32
    %mul3A_2 = arith.muli %add3A, %mul3A_1 : i32
    %add3A_3 = arith.constant 0 : i32
    %add3A_4 = arith.addi %mul3A_2, %add3A_3 : i32
    %dma_start3A = arith.constant 0 : i32
    %dma_start3A_5 = arith.constant 0 : i32
    %dma_start3A_6 = arith.constant 0 : i32
    %dma_start3A_7 = arith.constant 0 : i32
    %dma_start3A_8 = tpu.memref_slice %arg6[%dma_start3A, %dma_start3A_6, %dma_start3A_7] : memref<2x200x128xf32, #tpu.memory_space<vmem>> -> memref<1x200x128xf32, #tpu.memory_space<vmem>>
    %dma_start3A_9 = tpu.memref_squeeze %dma_start3A_8 : memref<1x200x128xf32, #tpu.memory_space<vmem>> -> memref<200x128xf32, #tpu.memory_space<vmem>>
    %dma_start3A_10 = arith.constant 0 : i32
    %dma_start3A_11 = tpu.memref_slice %arg2[%dma_start3A_10, %add3A_4] : memref<200x16384xf32, #tpu.memory_space<hbm>> -> memref<200x128xf32, #tpu.memory_space<hbm>>
    %dma_start3A_12 = tpu.memref_slice %arg8[%dma_start3A_5] : memref<2x!tpu.dma_semaphore, #tpu.memory_space<semaphore_mem>> -> memref<1x!tpu.dma_semaphore, #tpu.memory_space<semaphore_mem>>
    %dma_start3A_13 = tpu.memref_squeeze %dma_start3A_12 : memref<1x!tpu.dma_semaphore, #tpu.memory_space<semaphore_mem>> -> memref<!tpu.dma_semaphore, #tpu.memory_space<semaphore_mem>>
    %dma_start3A_14 = arith.constant 0 : i32
    %dma_start3A_15 = arith.constant 0 : i32
    %dma_start3A_16 = tpu.memref_slice %arg6[%dma_start3A, %dma_start3A_14, %dma_start3A_15] : memref<2x200x128xf32, #tpu.memory_space<vmem>> -> memref<1x200x128xf32, #tpu.memory_space<vmem>>
    %dma_start3A_17 = tpu.memref_squeeze %dma_start3A_16 : memref<1x200x128xf32, #tpu.memory_space<vmem>> -> memref<200x128xf32, #tpu.memory_space<vmem>>
    %dma_start3A_18 = arith.constant 0 : i32
    %dma_start3A_19 = tpu.memref_slice %arg2[%dma_start3A_18, %add3A_4] : memref<200x16384xf32, #tpu.memory_space<hbm>> -> memref<200x128xf32, #tpu.memory_space<hbm>>
    tpu.enqueue_dma source(%dma_start3A_19 : memref<200x128xf32, #tpu.memory_space<hbm>>) target(%dma_start3A_17 : memref<200x128xf32, #tpu.memory_space<vmem>>) target_semaphore(%dma_start3A_13 : memref<!tpu.dma_semaphore, #tpu.memory_space<semaphore_mem>>)
    %add3A_20 = arith.constant 128 : i32
    %add3A_21 = arith.addi %mul3A_2, %add3A_20 : i32
    %dma_start3A_22 = arith.constant 1 : i32
    %dma_start3A_23 = arith.constant 1 : i32
    %dma_start3A_24 = arith.constant 0 : i32
    %dma_start3A_25 = arith.constant 0 : i32
    %dma_start3A_26 = tpu.memref_slice %arg6[%dma_start3A_22, %dma_start3A_24, %dma_start3A_25] : memref<2x200x128xf32, #tpu.memory_space<vmem>> -> memref<1x200x128xf32, #tpu.memory_space<vmem>>
    %dma_start3A_27 = tpu.memref_squeeze %dma_start3A_26 : memref<1x200x128xf32, #tpu.memory_space<vmem>> -> memref<200x128xf32, #tpu.memory_space<vmem>>
    %dma_start3A_28 = arith.constant 0 : i32
    %dma_start3A_29 = tpu.memref_slice %arg2[%dma_start3A_28, %add3A_21] : memref<200x16384xf32, #tpu.memory_space<hbm>> -> memref<200x128xf32, #tpu.memory_space<hbm>>
    %dma_start3A_30 = tpu.memref_slice %arg8[%dma_start3A_23] : memref<2x!tpu.dma_semaphore, #tpu.memory_space<semaphore_mem>> -> memref<1x!tpu.dma_semaphore, #tpu.memory_space<semaphore_mem>>
    %dma_start3A_31 = tpu.memref_squeeze %dma_start3A_30 : memref<1x!tpu.dma_semaphore, #tpu.memory_space<semaphore_mem>> -> memref<!tpu.dma_semaphore, #tpu.memory_space<semaphore_mem>>
    %dma_start3A_32 = arith.constant 0 : i32
    %dma_start3A_33 = arith.constant 0 : i32
    %dma_start3A_34 = tpu.memref_slice %arg6[%dma_start3A_22, %dma_start3A_32, %dma_start3A_33] : memref<2x200x128xf32, #tpu.memory_space<vmem>> -> memref<1x200x128xf32, #tpu.memory_space<vmem>>
    %dma_start3A_35 = tpu.memref_squeeze %dma_start3A_34 : memref<1x200x128xf32, #tpu.memory_space<vmem>> -> memref<200x128xf32, #tpu.memory_space<vmem>>
    %dma_start3A_36 = arith.constant 0 : i32
    %dma_start3A_37 = tpu.memref_slice %arg2[%dma_start3A_36, %add3A_21] : memref<200x16384xf32, #tpu.memory_space<hbm>> -> memref<200x128xf32, #tpu.memory_space<hbm>>
    tpu.enqueue_dma source(%dma_start3A_37 : memref<200x128xf32, #tpu.memory_space<hbm>>) target(%dma_start3A_35 : memref<200x128xf32, #tpu.memory_space<vmem>>) target_semaphore(%dma_start3A_31 : memref<!tpu.dma_semaphore, #tpu.memory_space<semaphore_mem>>)
    "tpu.region"() ({
      %run_scoped3A = tpu.sem_alloc : memref<!tpu.dma_semaphore, #tpu.memory_space<semaphore_mem>>
      tpu.enqueue_dma source(%arg3 : memref<256xf32, #tpu.memory_space<hbm>>) target(%arg5 : memref<256xf32, #tpu.memory_space<vmem>>) target_semaphore(%run_scoped3A : memref<!tpu.dma_semaphore, #tpu.memory_space<semaphore_mem>>)
      tpu.wait_dma2 semaphore(%run_scoped3A : memref<!tpu.dma_semaphore, #tpu.memory_space<semaphore_mem>>) src(%arg3 : memref<256xf32, #tpu.memory_space<hbm>>) dst(%arg5 : memref<256xf32, #tpu.memory_space<vmem>>)
      tpu.yield
    }) : () -> ()
    %scan3A = arith.constant 0 : i32
    %scan3A_38 = arith.constant 2 : i32
    %scan3A_39 = arith.addi %scan3A, %scan3A_38 : i32
    %scan3A_40 = arith.constant 1 : i32
    scf.for %scan3A_77 = %scan3A to %scan3A_39 step %scan3A_40  : i32 {
      %mul3A_78 = arith.constant 2 : i32
      %mul3A_79 = arith.muli %scan3A_77, %mul3A_78 : i32
      %add3A_80 = arith.constant 0 : i32
      %add3A_81 = arith.addi %add3A_80, %mul3A_79 : i32
      %add3A_82 = arith.constant 0 : i32
      %add3A_83 = arith.addi %add3A_81, %add3A_82 : i32
      %mul3A_84 = arith.constant 128 : i32
      %mul3A_85 = arith.muli %add3A_83, %mul3A_84 : i32
      %add3A_86 = arith.addi %mul3A_2, %mul3A_85 : i32
      %dma_wait3A_87 = arith.constant 0 : i32
      %dma_wait3A_88 = arith.constant 0 : i32
      %dma_wait3A_89 = arith.constant 0 : i32
      %dma_wait3A_90 = arith.constant 0 : i32
      %dma_wait3A_91 = tpu.memref_slice %arg6[%dma_wait3A_87, %dma_wait3A_89, %dma_wait3A_90] : memref<2x200x128xf32, #tpu.memory_space<vmem>> -> memref<1x200x128xf32, #tpu.memory_space<vmem>>
      %dma_wait3A_92 = tpu.memref_squeeze %dma_wait3A_91 : memref<1x200x128xf32, #tpu.memory_space<vmem>> -> memref<200x128xf32, #tpu.memory_space<vmem>>
      %dma_wait3A_93 = arith.constant 0 : i32
      %dma_wait3A_94 = tpu.memref_slice %arg2[%dma_wait3A_93, %add3A_86] : memref<200x16384xf32, #tpu.memory_space<hbm>> -> memref<200x128xf32, #tpu.memory_space<hbm>>
      %dma_wait3A_95 = tpu.memref_slice %arg8[%dma_wait3A_88] : memref<2x!tpu.dma_semaphore, #tpu.memory_space<semaphore_mem>> -> memref<1x!tpu.dma_semaphore, #tpu.memory_space<semaphore_mem>>
      %dma_wait3A_96 = tpu.memref_squeeze %dma_wait3A_95 : memref<1x!tpu.dma_semaphore, #tpu.memory_space<semaphore_mem>> -> memref<!tpu.dma_semaphore, #tpu.memory_space<semaphore_mem>>
      %dma_wait3A_97 = arith.constant 0 : i32
      %dma_wait3A_98 = arith.constant 0 : i32
      %dma_wait3A_99 = tpu.memref_slice %arg6[%dma_wait3A_87, %dma_wait3A_97, %dma_wait3A_98] : memref<2x200x128xf32, #tpu.memory_space<vmem>> -> memref<1x200x128xf32, #tpu.memory_space<vmem>>
      %dma_wait3A_100 = tpu.memref_squeeze %dma_wait3A_99 : memref<1x200x128xf32, #tpu.memory_space<vmem>> -> memref<200x128xf32, #tpu.memory_space<vmem>>
      %dma_wait3A_101 = arith.constant 0 : i32
      %dma_wait3A_102 = tpu.memref_slice %arg2[%dma_wait3A_101, %add3A_86] : memref<200x16384xf32, #tpu.memory_space<hbm>> -> memref<200x128xf32, #tpu.memory_space<hbm>>
      tpu.wait_dma2 semaphore(%dma_wait3A_96 : memref<!tpu.dma_semaphore, #tpu.memory_space<semaphore_mem>>) src(%dma_wait3A_102 : memref<200x128xf32, #tpu.memory_space<hbm>>) dst(%dma_wait3A_100 : memref<200x128xf32, #tpu.memory_space<vmem>>)
      %gt3A = arith.constant 0 : i32
      %gt3A_103 = arith.cmpi sgt, %add3A_81, %gt3A : i32
      %convert_element_type3A = arith.extui %gt3A_103 : i1 to i32
      %cond3A = arith.constant 0 : i32
      %cond3A_104 = arith.cmpi ne, %convert_element_type3A, %cond3A : i32
      scf.if %cond3A_104 {
        %sub3A = arith.constant 256 : i32
        %sub3A_181 = arith.subi %add3A_86, %sub3A : i32
        %dma_wait3A_182 = arith.constant 0 : i32
        %dma_wait3A_183 = arith.constant 0 : i32
        %dma_wait3A_184 = arith.constant 0 : i32
        %dma_wait3A_185 = arith.constant 0 : i32
        %dma_wait3A_186 = tpu.memref_slice %arg7[%dma_wait3A_182, %dma_wait3A_184, %dma_wait3A_185] : memref<2x200x128xf32, #tpu.memory_space<vmem>> -> memref<1x200x128xf32, #tpu.memory_space<vmem>>
        %dma_wait3A_187 = tpu.memref_squeeze %dma_wait3A_186 : memref<1x200x128xf32, #tpu.memory_space<vmem>> -> memref<200x128xf32, #tpu.memory_space<vmem>>
        %dma_wait3A_188 = arith.constant 0 : i32
        %dma_wait3A_189 = tpu.memref_slice %arg4[%dma_wait3A_188, %sub3A_181] : memref<200x16384xf32, #tpu.memory_space<hbm>> -> memref<200x128xf32, #tpu.memory_space<hbm>>
        %dma_wait3A_190 = tpu.memref_slice %arg9[%dma_wait3A_183] : memref<2x!tpu.dma_semaphore, #tpu.memory_space<semaphore_mem>> -> memref<1x!tpu.dma_semaphore, #tpu.memory_space<semaphore_mem>>
        %dma_wait3A_191 = tpu.memref_squeeze %dma_wait3A_190 : memref<1x!tpu.dma_semaphore, #tpu.memory_space<semaphore_mem>> -> memref<!tpu.dma_semaphore, #tpu.memory_space<semaphore_mem>>
        %dma_wait3A_192 = arith.constant 0 : i32
        %dma_wait3A_193 = tpu.memref_slice %arg4[%dma_wait3A_192, %sub3A_181] : memref<200x16384xf32, #tpu.memory_space<hbm>> -> memref<200x128xf32, #tpu.memory_space<hbm>>
        %dma_wait3A_194 = arith.constant 0 : i32
        %dma_wait3A_195 = arith.constant 0 : i32
        %dma_wait3A_196 = tpu.memref_slice %arg7[%dma_wait3A_182, %dma_wait3A_194, %dma_wait3A_195] : memref<2x200x128xf32, #tpu.memory_space<vmem>> -> memref<1x200x128xf32, #tpu.memory_space<vmem>>
        %dma_wait3A_197 = tpu.memref_squeeze %dma_wait3A_196 : memref<1x200x128xf32, #tpu.memory_space<vmem>> -> memref<200x128xf32, #tpu.memory_space<vmem>>
        tpu.wait_dma2 semaphore(%dma_wait3A_191 : memref<!tpu.dma_semaphore, #tpu.memory_space<semaphore_mem>>) src(%dma_wait3A_197 : memref<200x128xf32, #tpu.memory_space<vmem>>) dst(%dma_wait3A_193 : memref<200x128xf32, #tpu.memory_space<hbm>>)
      } else {
      }
      %parallel_loop3A = arith.constant 0 : i32
      %parallel_loop3A_105 = arith.constant 200 : i32
      %parallel_loop3A_106 = arith.constant 1 : i32
      scf.for %parallel_loop3A_181 = %parallel_loop3A to %parallel_loop3A_105 step %parallel_loop3A_106  : i32 {
        %parallel_loop3A_182 = arith.constant 0 : i32
        %parallel_loop3A_183 = arith.index_cast %parallel_loop3A_182 : i32 to index
        %parallel_loop3A_184 = arith.index_cast %parallel_loop3A_181 : i32 to index
        %parallel_loop3A_185 = arith.constant 0 : index
        %parallel_loop3A_186 = tpu.vector_load %arg6[%parallel_loop3A_183, %parallel_loop3A_184, %parallel_loop3A_185] {strides = array<i32>} : memref<2x200x128xf32, #tpu.memory_space<vmem>>, vector<16xf32>,
        %parallel_loop3A_187 = arith.constant 2.550000e+02 : f32
        %parallel_loop3A_188 = vector.broadcast %parallel_loop3A_187 : f32 to vector<16xf32>
        %parallel_loop3A_189 = arith.mulf %parallel_loop3A_186, %parallel_loop3A_188 : vector<16xf32>
        %parallel_loop3A_190 = arith.fptosi %parallel_loop3A_189 : vector<16xf32> to vector<16xi32>
        %parallel_loop3A_191 = vector.bitcast %parallel_loop3A_190 : vector<16xi32> to vector<16xi32>
        %parallel_loop3A_192 = arith.constant 255 : i32
        %parallel_loop3A_193 = vector.broadcast %parallel_loop3A_192 : i32 to vector<16xi32>
        %parallel_loop3A_194 = arith.minui %parallel_loop3A_191, %parallel_loop3A_193 : vector<16xi32>
        %parallel_loop3A_195 = vector.bitcast %parallel_loop3A_194 : vector<16xi32> to vector<16xi32>
        %parallel_loop3A_196 = tpu.vector_load_idx %arg5[%parallel_loop3A_195] : memref<256xf32, #tpu.memory_space<vmem>>[vector<16xi32>], vector<16xf32>,
        %parallel_loop3A_197 = arith.constant 0 : i32
        %parallel_loop3A_198 = arith.index_cast %parallel_loop3A_197 : i32 to index
        %parallel_loop3A_199 = arith.index_cast %parallel_loop3A_181 : i32 to index
        %parallel_loop3A_200 = arith.constant 0 : index
        %parallel_loop3A_201 = tpu.vector_load %arg7[%parallel_loop3A_198, %parallel_loop3A_199, %parallel_loop3A_200] {strides = array<i32>} : memref<2x200x128xf32, #tpu.memory_space<vmem>>, vector<16xf32>,
        tpu.vector_store %arg7[%parallel_loop3A_198, %parallel_loop3A_199, %parallel_loop3A_200], %parallel_loop3A_196 {strides = array<i32>} : memref<2x200x128xf32, #tpu.memory_space<vmem>>, vector<16xf32>,
        %parallel_loop3A_202 = arith.constant 0 : i32
        %parallel_loop3A_203 = arith.index_cast %parallel_loop3A_202 : i32 to index
        %parallel_loop3A_204 = arith.index_cast %parallel_loop3A_181 : i32 to index
        %parallel_loop3A_205 = arith.constant 16 : index
        %parallel_loop3A_206 = tpu.vector_load %arg6[%parallel_loop3A_203, %parallel_loop3A_204, %parallel_loop3A_205] {strides = array<i32>} : memref<2x200x128xf32, #tpu.memory_space<vmem>>, vector<16xf32>,
        %parallel_loop3A_207 = arith.constant 2.550000e+02 : f32
        %parallel_loop3A_208 = vector.broadcast %parallel_loop3A_207 : f32 to vector<16xf32>
        %parallel_loop3A_209 = arith.mulf %parallel_loop3A_206, %parallel_loop3A_208 : vector<16xf32>
        %parallel_loop3A_210 = arith.fptosi %parallel_loop3A_209 : vector<16xf32> to vector<16xi32>
        %parallel_loop3A_211 = vector.bitcast %parallel_loop3A_210 : vector<16xi32> to vector<16xi32>
        %parallel_loop3A_212 = arith.constant 255 : i32
        %parallel_loop3A_213 = vector.broadcast %parallel_loop3A_212 : i32 to vector<16xi32>
        %parallel_loop3A_214 = arith.minui %parallel_loop3A_211, %parallel_loop3A_213 : vector<16xi32>
        %parallel_loop3A_215 = vector.bitcast %parallel_loop3A_214 : vector<16xi32> to vector<16xi32>
        %parallel_loop3A_216 = tpu.vector_load_idx %arg5[%parallel_loop3A_215] : memref<256xf32, #tpu.memory_space<vmem>>[vector<16xi32>], vector<16xf32>,
        %parallel_loop3A_217 = arith.constant 0 : i32
        %parallel_loop3A_218 = arith.index_cast %parallel_loop3A_217 : i32 to index
        %parallel_loop3A_219 = arith.index_cast %parallel_loop3A_181 : i32 to index
        %parallel_loop3A_220 = arith.constant 16 : index
        %parallel_loop3A_221 = tpu.vector_load %arg7[%parallel_loop3A_218, %parallel_loop3A_219, %parallel_loop3A_220] {strides = array<i32>} : memref<2x200x128xf32, #tpu.memory_space<vmem>>, vector<16xf32>,
        tpu.vector_store %arg7[%parallel_loop3A_218, %parallel_loop3A_219, %parallel_loop3A_220], %parallel_loop3A_216 {strides = array<i32>} : memref<2x200x128xf32, #tpu.memory_space<vmem>>, vector<16xf32>,
        %parallel_loop3A_222 = arith.constant 0 : i32
        %parallel_loop3A_223 = arith.index_cast %parallel_loop3A_222 : i32 to index
        %parallel_loop3A_224 = arith.index_cast %parallel_loop3A_181 : i32 to index
        %parallel_loop3A_225 = arith.constant 32 : index
        %parallel_loop3A_226 = tpu.vector_load %arg6[%parallel_loop3A_223, %parallel_loop3A_224, %parallel_loop3A_225] {strides = array<i32>} : memref<2x200x128xf32, #tpu.memory_space<vmem>>, vector<16xf32>,
        %parallel_loop3A_227 = arith.constant 2.550000e+02 : f32
        %parallel_loop3A_228 = vector.broadcast %parallel_loop3A_227 : f32 to vector<16xf32>
        %parallel_loop3A_229 = arith.mulf %parallel_loop3A_226, %parallel_loop3A_228 : vector<16xf32>
        %parallel_loop3A_230 = arith.fptosi %parallel_loop3A_229 : vector<16xf32> to vector<16xi32>
        %parallel_loop3A_231 = vector.bitcast %parallel_loop3A_230 : vector<16xi32> to vector<16xi32>
        %parallel_loop3A_232 = arith.constant 255 : i32
        %parallel_loop3A_233 = vector.broadcast %parallel_loop3A_232 : i32 to vector<16xi32>
        %parallel_loop3A_234 = arith.minui %parallel_loop3A_231, %parallel_loop3A_233 : vector<16xi32>
        %parallel_loop3A_235 = vector.bitcast %parallel_loop3A_234 : vector<16xi32> to vector<16xi32>
        %parallel_loop3A_236 = tpu.vector_load_idx %arg5[%parallel_loop3A_235] : memref<256xf32, #tpu.memory_space<vmem>>[vector<16xi32>], vector<16xf32>,
        %parallel_loop3A_237 = arith.constant 0 : i32
        %parallel_loop3A_238 = arith.index_cast %parallel_loop3A_237 : i32 to index
        %parallel_loop3A_239 = arith.index_cast %parallel_loop3A_181 : i32 to index
        %parallel_loop3A_240 = arith.constant 32 : index
        %parallel_loop3A_241 = tpu.vector_load %arg7[%parallel_loop3A_238, %parallel_loop3A_239, %parallel_loop3A_240] {strides = array<i32>} : memref<2x200x128xf32, #tpu.memory_space<vmem>>, vector<16xf32>,
        tpu.vector_store %arg7[%parallel_loop3A_238, %parallel_loop3A_239, %parallel_loop3A_240], %parallel_loop3A_236 {strides = array<i32>} : memref<2x200x128xf32, #tpu.memory_space<vmem>>, vector<16xf32>,
        %parallel_loop3A_242 = arith.constant 0 : i32
        %parallel_loop3A_243 = arith.index_cast %parallel_loop3A_242 : i32 to index
        %parallel_loop3A_244 = arith.index_cast %parallel_loop3A_181 : i32 to index
        %parallel_loop3A_245 = arith.constant 48 : index
        %parallel_loop3A_246 = tpu.vector_load %arg6[%parallel_loop3A_243, %parallel_loop3A_244, %parallel_loop3A_245] {strides = array<i32>} : memref<2x200x128xf32, #tpu.memory_space<vmem>>, vector<16xf32>,
        %parallel_loop3A_247 = arith.constant 2.550000e+02 : f32
        %parallel_loop3A_248 = vector.broadcast %parallel_loop3A_247 : f32 to vector<16xf32>
        %parallel_loop3A_249 = arith.mulf %parallel_loop3A_246, %parallel_loop3A_248 : vector<16xf32>
        %parallel_loop3A_250 = arith.fptosi %parallel_loop3A_249 : vector<16xf32> to vector<16xi32>
        %parallel_loop3A_251 = vector.bitcast %parallel_loop3A_250 : vector<16xi32> to vector<16xi32>
        %parallel_loop3A_252 = arith.constant 255 : i32
        %parallel_loop3A_253 = vector.broadcast %parallel_loop3A_252 : i32 to vector<16xi32>
        %parallel_loop3A_254 = arith.minui %parallel_loop3A_251, %parallel_loop3A_253 : vector<16xi32>
        %parallel_loop3A_255 = vector.bitcast %parallel_loop3A_254 : vector<16xi32> to vector<16xi32>
        %parallel_loop3A_256 = tpu.vector_load_idx %arg5[%parallel_loop3A_255] : memref<256xf32, #tpu.memory_space<vmem>>[vector<16xi32>], vector<16xf32>,
        %parallel_loop3A_257 = arith.constant 0 : i32
        %parallel_loop3A_258 = arith.index_cast %parallel_loop3A_257 : i32 to index
        %parallel_loop3A_259 = arith.index_cast %parallel_loop3A_181 : i32 to index
        %parallel_loop3A_260 = arith.constant 48 : index
        %parallel_loop3A_261 = tpu.vector_load %arg7[%parallel_loop3A_258, %parallel_loop3A_259, %parallel_loop3A_260] {strides = array<i32>} : memref<2x200x128xf32, #tpu.memory_space<vmem>>, vector<16xf32>,
        tpu.vector_store %arg7[%parallel_loop3A_258, %parallel_loop3A_259, %parallel_loop3A_260], %parallel_loop3A_256 {strides = array<i32>} : memref<2x200x128xf32, #tpu.memory_space<vmem>>, vector<16xf32>,
        %parallel_loop3A_262 = arith.constant 0 : i32
        %parallel_loop3A_263 = arith.index_cast %parallel_loop3A_262 : i32 to index
        %parallel_loop3A_264 = arith.index_cast %parallel_loop3A_181 : i32 to index
        %parallel_loop3A_265 = arith.constant 64 : index
        %parallel_loop3A_266 = tpu.vector_load %arg6[%parallel_loop3A_263, %parallel_loop3A_264, %parallel_loop3A_265] {strides = array<i32>} : memref<2x200x128xf32, #tpu.memory_space<vmem>>, vector<16xf32>,
        %parallel_loop3A_267 = arith.constant 2.550000e+02 : f32
        %parallel_loop3A_268 = vector.broadcast %parallel_loop3A_267 : f32 to vector<16xf32>
        %parallel_loop3A_269 = arith.mulf %parallel_loop3A_266, %parallel_loop3A_268 : vector<16xf32>
        %parallel_loop3A_270 = arith.fptosi %parallel_loop3A_269 : vector<16xf32> to vector<16xi32>
        %parallel_loop3A_271 = vector.bitcast %parallel_loop3A_270 : vector<16xi32> to vector<16xi32>
        %parallel_loop3A_272 = arith.constant 255 : i32
        %parallel_loop3A_273 = vector.broadcast %parallel_loop3A_272 : i32 to vector<16xi32>
        %parallel_loop3A_274 = arith.minui %parallel_loop3A_271, %parallel_loop3A_273 : vector<16xi32>
        %parallel_loop3A_275 = vector.bitcast %parallel_loop3A_274 : vector<16xi32> to vector<16xi32>
        %parallel_loop3A_276 = tpu.vector_load_idx %arg5[%parallel_loop3A_275] : memref<256xf32, #tpu.memory_space<vmem>>[vector<16xi32>], vector<16xf32>,
        %parallel_loop3A_277 = arith.constant 0 : i32
        %parallel_loop3A_278 = arith.index_cast %parallel_loop3A_277 : i32 to index
        %parallel_loop3A_279 = arith.index_cast %parallel_loop3A_181 : i32 to index
        %parallel_loop3A_280 = arith.constant 64 : index
        %parallel_loop3A_281 = tpu.vector_load %arg7[%parallel_loop3A_278, %parallel_loop3A_279, %parallel_loop3A_280] {strides = array<i32>} : memref<2x200x128xf32, #tpu.memory_space<vmem>>, vector<16xf32>,
        tpu.vector_store %arg7[%parallel_loop3A_278, %parallel_loop3A_279, %parallel_loop3A_280], %parallel_loop3A_276 {strides = array<i32>} : memref<2x200x128xf32, #tpu.memory_space<vmem>>, vector<16xf32>,
        %parallel_loop3A_282 = arith.constant 0 : i32
        %parallel_loop3A_283 = arith.index_cast %parallel_loop3A_282 : i32 to index
        %parallel_loop3A_284 = arith.index_cast %parallel_loop3A_181 : i32 to index
        %parallel_loop3A_285 = arith.constant 80 : index
        %parallel_loop3A_286 = tpu.vector_load %arg6[%parallel_loop3A_283, %parallel_loop3A_284, %parallel_loop3A_285] {strides = array<i32>} : memref<2x200x128xf32, #tpu.memory_space<vmem>>, vector<16xf32>,
        %parallel_loop3A_287 = arith.constant 2.550000e+02 : f32
        %parallel_loop3A_288 = vector.broadcast %parallel_loop3A_287 : f32 to vector<16xf32>
        %parallel_loop3A_289 = arith.mulf %parallel_loop3A_286, %parallel_loop3A_288 : vector<16xf32>
        %parallel_loop3A_290 = arith.fptosi %parallel_loop3A_289 : vector<16xf32> to vector<16xi32>
        %parallel_loop3A_291 = vector.bitcast %parallel_loop3A_290 : vector<16xi32> to vector<16xi32>
        %parallel_loop3A_292 = arith.constant 255 : i32
        %parallel_loop3A_293 = vector.broadcast %parallel_loop3A_292 : i32 to vector<16xi32>
        %parallel_loop3A_294 = arith.minui %parallel_loop3A_291, %parallel_loop3A_293 : vector<16xi32>
        %parallel_loop3A_295 = vector.bitcast %parallel_loop3A_294 : vector<16xi32> to vector<16xi32>
        %parallel_loop3A_296 = tpu.vector_load_idx %arg5[%parallel_loop3A_295] : memref<256xf32, #tpu.memory_space<vmem>>[vector<16xi32>], vector<16xf32>,
        %parallel_loop3A_297 = arith.constant 0 : i32
        %parallel_loop3A_298 = arith.index_cast %parallel_loop3A_297 : i32 to index
        %parallel_loop3A_299 = arith.index_cast %parallel_loop3A_181 : i32 to index
        %parallel_loop3A_300 = arith.constant 80 : index
        %parallel_loop3A_301 = tpu.vector_load %arg7[%parallel_loop3A_298, %parallel_loop3A_299, %parallel_loop3A_300] {strides = array<i32>} : memref<2x200x128xf32, #tpu.memory_space<vmem>>, vector<16xf32>,
        tpu.vector_store %arg7[%parallel_loop3A_298, %parallel_loop3A_299, %parallel_loop3A_300], %parallel_loop3A_296 {strides = array<i32>} : memref<2x200x128xf32, #tpu.memory_space<vmem>>, vector<16xf32>,
        %parallel_loop3A_302 = arith.constant 0 : i32
        %parallel_loop3A_303 = arith.index_cast %parallel_loop3A_302 : i32 to index
        %parallel_loop3A_304 = arith.index_cast %parallel_loop3A_181 : i32 to index
        %parallel_loop3A_305 = arith.constant 96 : index
        %parallel_loop3A_306 = tpu.vector_load %arg6[%parallel_loop3A_303, %parallel_loop3A_304, %parallel_loop3A_305] {strides = array<i32>} : memref<2x200x128xf32, #tpu.memory_space<vmem>>, vector<16xf32>,
        %parallel_loop3A_307 = arith.constant 2.550000e+02 : f32
        %parallel_loop3A_308 = vector.broadcast %parallel_loop3A_307 : f32 to vector<16xf32>
        %parallel_loop3A_309 = arith.mulf %parallel_loop3A_306, %parallel_loop3A_308 : vector<16xf32>
        %parallel_loop3A_310 = arith.fptosi %parallel_loop3A_309 : vector<16xf32> to vector<16xi32>
        %parallel_loop3A_311 = vector.bitcast %parallel_loop3A_310 : vector<16xi32> to vector<16xi32>
        %parallel_loop3A_312 = arith.constant 255 : i32
        %parallel_loop3A_313 = vector.broadcast %parallel_loop3A_312 : i32 to vector<16xi32>
        %parallel_loop3A_314 = arith.minui %parallel_loop3A_311, %parallel_loop3A_313 : vector<16xi32>
        %parallel_loop3A_315 = vector.bitcast %parallel_loop3A_314 : vector<16xi32> to vector<16xi32>
        %parallel_loop3A_316 = tpu.vector_load_idx %arg5[%parallel_loop3A_315] : memref<256xf32, #tpu.memory_space<vmem>>[vector<16xi32>], vector<16xf32>,
        %parallel_loop3A_317 = arith.constant 0 : i32
        %parallel_loop3A_318 = arith.index_cast %parallel_loop3A_317 : i32 to index
        %parallel_loop3A_319 = arith.index_cast %parallel_loop3A_181 : i32 to index
        %parallel_loop3A_320 = arith.constant 96 : index
        %parallel_loop3A_321 = tpu.vector_load %arg7[%parallel_loop3A_318, %parallel_loop3A_319, %parallel_loop3A_320] {strides = array<i32>} : memref<2x200x128xf32, #tpu.memory_space<vmem>>, vector<16xf32>,
        tpu.vector_store %arg7[%parallel_loop3A_318, %parallel_loop3A_319, %parallel_loop3A_320], %parallel_loop3A_316 {strides = array<i32>} : memref<2x200x128xf32, #tpu.memory_space<vmem>>, vector<16xf32>,
        %parallel_loop3A_322 = arith.constant 0 : i32
        %parallel_loop3A_323 = arith.index_cast %parallel_loop3A_322 : i32 to index
        %parallel_loop3A_324 = arith.index_cast %parallel_loop3A_181 : i32 to index
        %parallel_loop3A_325 = arith.constant 112 : index
        %parallel_loop3A_326 = tpu.vector_load %arg6[%parallel_loop3A_323, %parallel_loop3A_324, %parallel_loop3A_325] {strides = array<i32>} : memref<2x200x128xf32, #tpu.memory_space<vmem>>, vector<16xf32>,
        %parallel_loop3A_327 = arith.constant 2.550000e+02 : f32
        %parallel_loop3A_328 = vector.broadcast %parallel_loop3A_327 : f32 to vector<16xf32>
        %parallel_loop3A_329 = arith.mulf %parallel_loop3A_326, %parallel_loop3A_328 : vector<16xf32>
        %parallel_loop3A_330 = arith.fptosi %parallel_loop3A_329 : vector<16xf32> to vector<16xi32>
        %parallel_loop3A_331 = vector.bitcast %parallel_loop3A_330 : vector<16xi32> to vector<16xi32>
        %parallel_loop3A_332 = arith.constant 255 : i32
        %parallel_loop3A_333 = vector.broadcast %parallel_loop3A_332 : i32 to vector<16xi32>
        %parallel_loop3A_334 = arith.minui %parallel_loop3A_331, %parallel_loop3A_333 : vector<16xi32>
        %parallel_loop3A_335 = vector.bitcast %parallel_loop3A_334 : vector<16xi32> to vector<16xi32>
        %parallel_loop3A_336 = tpu.vector_load_idx %arg5[%parallel_loop3A_335] : memref<256xf32, #tpu.memory_space<vmem>>[vector<16xi32>], vector<16xf32>,
        %parallel_loop3A_337 = arith.constant 0 : i32
        %parallel_loop3A_338 = arith.index_cast %parallel_loop3A_337 : i32 to index
        %parallel_loop3A_339 = arith.index_cast %parallel_loop3A_181 : i32 to index
        %parallel_loop3A_340 = arith.constant 112 : index
        %parallel_loop3A_341 = tpu.vector_load %arg7[%parallel_loop3A_338, %parallel_loop3A_339, %parallel_loop3A_340] {strides = array<i32>} : memref<2x200x128xf32, #tpu.memory_space<vmem>>, vector<16xf32>,
        tpu.vector_store %arg7[%parallel_loop3A_338, %parallel_loop3A_339, %parallel_loop3A_340], %parallel_loop3A_336 {strides = array<i32>} : memref<2x200x128xf32, #tpu.memory_space<vmem>>, vector<16xf32>,
      } {sc.loop_unroll_factor = 4 : i64, sc.parallel_access}
      %dma_start3A_107 = arith.constant 0 : i32
      %dma_start3A_108 = arith.constant 0 : i32
      %dma_start3A_109 = arith.constant 0 : i32
      %dma_start3A_110 = arith.constant 0 : i32
      %dma_start3A_111 = tpu.memref_slice %arg7[%dma_start3A_107, %dma_start3A_109, %dma_start3A_110] : memref<2x200x128xf32, #tpu.memory_space<vmem>> -> memref<1x200x128xf32, #tpu.memory_space<vmem>>
      %dma_start3A_112 = tpu.memref_squeeze %dma_start3A_111 : memref<1x200x128xf32, #tpu.memory_space<vmem>> -> memref<200x128xf32, #tpu.memory_space<vmem>>
      %dma_start3A_113 = arith.constant 0 : i32
      %dma_start3A_114 = tpu.memref_slice %arg4[%dma_start3A_113, %add3A_86] : memref<200x16384xf32, #tpu.memory_space<hbm>> -> memref<200x128xf32, #tpu.memory_space<hbm>>
      %dma_start3A_115 = tpu.memref_slice %arg9[%dma_start3A_108] : memref<2x!tpu.dma_semaphore, #tpu.memory_space<semaphore_mem>> -> memref<1x!tpu.dma_semaphore, #tpu.memory_space<semaphore_mem>>
      %dma_start3A_116 = tpu.memref_squeeze %dma_start3A_115 : memref<1x!tpu.dma_semaphore, #tpu.memory_space<semaphore_mem>> -> memref<!tpu.dma_semaphore, #tpu.memory_space<semaphore_mem>>
      %dma_start3A_117 = arith.constant 0 : i32
      %dma_start3A_118 = tpu.memref_slice %arg4[%dma_start3A_117, %add3A_86] : memref<200x16384xf32, #tpu.memory_space<hbm>> -> memref<200x128xf32, #tpu.memory_space<hbm>>
      %dma_start3A_119 = arith.constant 0 : i32
      %dma_start3A_120 = arith.constant 0 : i32
      %dma_start3A_121 = tpu.memref_slice %arg7[%dma_start3A_107, %dma_start3A_119, %dma_start3A_120] : memref<2x200x128xf32, #tpu.memory_space<vmem>> -> memref<1x200x128xf32, #tpu.memory_space<vmem>>
      %dma_start3A_122 = tpu.memref_squeeze %dma_start3A_121 : memref<1x200x128xf32, #tpu.memory_space<vmem>> -> memref<200x128xf32, #tpu.memory_space<vmem>>
      tpu.enqueue_dma source(%dma_start3A_122 : memref<200x128xf32, #tpu.memory_space<vmem>>) target(%dma_start3A_118 : memref<200x128xf32, #tpu.memory_space<hbm>>) target_semaphore(%dma_start3A_116 : memref<!tpu.dma_semaphore, #tpu.memory_space<semaphore_mem>>)
      %add3A_123 = arith.constant 2 : i32
      %add3A_124 = arith.addi %add3A_81, %add3A_123 : i32
      %lt3A = arith.constant 4 : i32
      %lt3A_125 = arith.cmpi slt, %add3A_124, %lt3A : i32
      %convert_element_type3A_126 = arith.extui %lt3A_125 : i1 to i32
      %cond3A_127 = arith.constant 0 : i32
      %cond3A_128 = arith.cmpi ne, %convert_element_type3A_126, %cond3A_127 : i32
      scf.if %cond3A_128 {
        %add3A_181 = arith.constant 256 : i32
        %add3A_182 = arith.addi %add3A_86, %add3A_181 : i32
        %dma_start3A_183 = arith.constant 0 : i32
        %dma_start3A_184 = arith.constant 0 : i32
        %dma_start3A_185 = arith.constant 0 : i32
        %dma_start3A_186 = arith.constant 0 : i32
        %dma_start3A_187 = tpu.memref_slice %arg6[%dma_start3A_183, %dma_start3A_185, %dma_start3A_186] : memref<2x200x128xf32, #tpu.memory_space<vmem>> -> memref<1x200x128xf32, #tpu.memory_space<vmem>>
        %dma_start3A_188 = tpu.memref_squeeze %dma_start3A_187 : memref<1x200x128xf32, #tpu.memory_space<vmem>> -> memref<200x128xf32, #tpu.memory_space<vmem>>
        %dma_start3A_189 = arith.constant 0 : i32
        %dma_start3A_190 = tpu.memref_slice %arg2[%dma_start3A_189, %add3A_182] : memref<200x16384xf32, #tpu.memory_space<hbm>> -> memref<200x128xf32, #tpu.memory_space<hbm>>
        %dma_start3A_191 = tpu.memref_slice %arg8[%dma_start3A_184] : memref<2x!tpu.dma_semaphore, #tpu.memory_space<semaphore_mem>> -> memref<1x!tpu.dma_semaphore, #tpu.memory_space<semaphore_mem>>
        %dma_start3A_192 = tpu.memref_squeeze %dma_start3A_191 : memref<1x!tpu.dma_semaphore, #tpu.memory_space<semaphore_mem>> -> memref<!tpu.dma_semaphore, #tpu.memory_space<semaphore_mem>>
        %dma_start3A_193 = arith.constant 0 : i32
        %dma_start3A_194 = arith.constant 0 : i32
        %dma_start3A_195 = tpu.memref_slice %arg6[%dma_start3A_183, %dma_start3A_193, %dma_start3A_194] : memref<2x200x128xf32, #tpu.memory_space<vmem>> -> memref<1x200x128xf32, #tpu.memory_space<vmem>>
        %dma_start3A_196 = tpu.memref_squeeze %dma_start3A_195 : memref<1x200x128xf32, #tpu.memory_space<vmem>> -> memref<200x128xf32, #tpu.memory_space<vmem>>
        %dma_start3A_197 = arith.constant 0 : i32
        %dma_start3A_198 = tpu.memref_slice %arg2[%dma_start3A_197, %add3A_182] : memref<200x16384xf32, #tpu.memory_space<hbm>> -> memref<200x128xf32, #tpu.memory_space<hbm>>
        tpu.enqueue_dma source(%dma_start3A_198 : memref<200x128xf32, #tpu.memory_space<hbm>>) target(%dma_start3A_196 : memref<200x128xf32, #tpu.memory_space<vmem>>) target_semaphore(%dma_start3A_192 : memref<!tpu.dma_semaphore, #tpu.memory_space<semaphore_mem>>)
      } else {
      }
      %add3A_129 = arith.constant 1 : i32
      %add3A_130 = arith.addi %add3A_81, %add3A_129 : i32
      %mul3A_131 = arith.constant 128 : i32
      %mul3A_132 = arith.muli %add3A_130, %mul3A_131 : i32
      %add3A_133 = arith.addi %mul3A_2, %mul3A_132 : i32
      %dma_wait3A_134 = arith.constant 1 : i32
      %dma_wait3A_135 = arith.constant 1 : i32
      %dma_wait3A_136 = arith.constant 0 : i32
      %dma_wait3A_137 = arith.constant 0 : i32
      %dma_wait3A_138 = tpu.memref_slice %arg6[%dma_wait3A_134, %dma_wait3A_136, %dma_wait3A_137] : memref<2x200x128xf32, #tpu.memory_space<vmem>> -> memref<1x200x128xf32, #tpu.memory_space<vmem>>
      %dma_wait3A_139 = tpu.memref_squeeze %dma_wait3A_138 : memref<1x200x128xf32, #tpu.memory_space<vmem>> -> memref<200x128xf32, #tpu.memory_space<vmem>>
      %dma_wait3A_140 = arith.constant 0 : i32
      %dma_wait3A_141 = tpu.memref_slice %arg2[%dma_wait3A_140, %add3A_133] : memref<200x16384xf32, #tpu.memory_space<hbm>> -> memref<200x128xf32, #tpu.memory_space<hbm>>
      %dma_wait3A_142 = tpu.memref_slice %arg8[%dma_wait3A_135] : memref<2x!tpu.dma_semaphore, #tpu.memory_space<semaphore_mem>> -> memref<1x!tpu.dma_semaphore, #tpu.memory_space<semaphore_mem>>
      %dma_wait3A_143 = tpu.memref_squeeze %dma_wait3A_142 : memref<1x!tpu.dma_semaphore, #tpu.memory_space<semaphore_mem>> -> memref<!tpu.dma_semaphore, #tpu.memory_space<semaphore_mem>>
      %dma_wait3A_144 = arith.constant 0 : i32
      %dma_wait3A_145 = arith.constant 0 : i32
      %dma_wait3A_146 = tpu.memref_slice %arg6[%dma_wait3A_134, %dma_wait3A_144, %dma_wait3A_145] : memref<2x200x128xf32, #tpu.memory_space<vmem>> -> memref<1x200x128xf32, #tpu.memory_space<vmem>>
      %dma_wait3A_147 = tpu.memref_squeeze %dma_wait3A_146 : memref<1x200x128xf32, #tpu.memory_space<vmem>> -> memref<200x128xf32, #tpu.memory_space<vmem>>
      %dma_wait3A_148 = arith.constant 0 : i32
      %dma_wait3A_149 = tpu.memref_slice %arg2[%dma_wait3A_148, %add3A_133] : memref<200x16384xf32, #tpu.memory_space<hbm>> -> memref<200x128xf32, #tpu.memory_space<hbm>>
      tpu.wait_dma2 semaphore(%dma_wait3A_143 : memref<!tpu.dma_semaphore, #tpu.memory_space<semaphore_mem>>) src(%dma_wait3A_149 : memref<200x128xf32, #tpu.memory_space<hbm>>) dst(%dma_wait3A_147 : memref<200x128xf32, #tpu.memory_space<vmem>>)
      %gt3A_150 = arith.constant 0 : i32
      %gt3A_151 = arith.cmpi sgt, %add3A_81, %gt3A_150 : i32
      %convert_element_type3A_152 = arith.extui %gt3A_151 : i1 to i32
      %cond3A_153 = arith.constant 0 : i32
      %cond3A_154 = arith.cmpi ne, %convert_element_type3A_152, %cond3A_153 : i32
      scf.if %cond3A_154 {
        %sub3A = arith.constant 256 : i32
        %sub3A_181 = arith.subi %add3A_133, %sub3A : i32
        %dma_wait3A_182 = arith.constant 1 : i32
        %dma_wait3A_183 = arith.constant 1 : i32
        %dma_wait3A_184 = arith.constant 0 : i32
        %dma_wait3A_185 = arith.constant 0 : i32
        %dma_wait3A_186 = tpu.memref_slice %arg7[%dma_wait3A_182, %dma_wait3A_184, %dma_wait3A_185] : memref<2x200x128xf32, #tpu.memory_space<vmem>> -> memref<1x200x128xf32, #tpu.memory_space<vmem>>
        %dma_wait3A_187 = tpu.memref_squeeze %dma_wait3A_186 : memref<1x200x128xf32, #tpu.memory_space<vmem>> -> memref<200x128xf32, #tpu.memory_space<vmem>>
        %dma_wait3A_188 = arith.constant 0 : i32
        %dma_wait3A_189 = tpu.memref_slice %arg4[%dma_wait3A_188, %sub3A_181] : memref<200x16384xf32, #tpu.memory_space<hbm>> -> memref<200x128xf32, #tpu.memory_space<hbm>>
        %dma_wait3A_190 = tpu.memref_slice %arg9[%dma_wait3A_183] : memref<2x!tpu.dma_semaphore, #tpu.memory_space<semaphore_mem>> -> memref<1x!tpu.dma_semaphore, #tpu.memory_space<semaphore_mem>>
        %dma_wait3A_191 = tpu.memref_squeeze %dma_wait3A_190 : memref<1x!tpu.dma_semaphore, #tpu.memory_space<semaphore_mem>> -> memref<!tpu.dma_semaphore, #tpu.memory_space<semaphore_mem>>
        %dma_wait3A_192 = arith.constant 0 : i32
        %dma_wait3A_193 = tpu.memref_slice %arg4[%dma_wait3A_192, %sub3A_181] : memref<200x16384xf32, #tpu.memory_space<hbm>> -> memref<200x128xf32, #tpu.memory_space<hbm>>
        %dma_wait3A_194 = arith.constant 0 : i32
        %dma_wait3A_195 = arith.constant 0 : i32
        %dma_wait3A_196 = tpu.memref_slice %arg7[%dma_wait3A_182, %dma_wait3A_194, %dma_wait3A_195] : memref<2x200x128xf32, #tpu.memory_space<vmem>> -> memref<1x200x128xf32, #tpu.memory_space<vmem>>
        %dma_wait3A_197 = tpu.memref_squeeze %dma_wait3A_196 : memref<1x200x128xf32, #tpu.memory_space<vmem>> -> memref<200x128xf32, #tpu.memory_space<vmem>>
        tpu.wait_dma2 semaphore(%dma_wait3A_191 : memref<!tpu.dma_semaphore, #tpu.memory_space<semaphore_mem>>) src(%dma_wait3A_197 : memref<200x128xf32, #tpu.memory_space<vmem>>) dst(%dma_wait3A_193 : memref<200x128xf32, #tpu.memory_space<hbm>>)
      } else {
      }
      %parallel_loop3A_155 = arith.constant 0 : i32
      %parallel_loop3A_156 = arith.constant 200 : i32
      %parallel_loop3A_157 = arith.constant 1 : i32
      scf.for %parallel_loop3A_181 = %parallel_loop3A_155 to %parallel_loop3A_156 step %parallel_loop3A_157  : i32 {
        %parallel_loop3A_182 = arith.constant 1 : i32
        %parallel_loop3A_183 = arith.index_cast %parallel_loop3A_182 : i32 to index
        %parallel_loop3A_184 = arith.index_cast %parallel_loop3A_181 : i32 to index
        %parallel_loop3A_185 = arith.constant 0 : index
        %parallel_loop3A_186 = tpu.vector_load %arg6[%parallel_loop3A_183, %parallel_loop3A_184, %parallel_loop3A_185] {strides = array<i32>} : memref<2x200x128xf32, #tpu.memory_space<vmem>>, vector<16xf32>,
        %parallel_loop3A_187 = arith.constant 2.550000e+02 : f32
        %parallel_loop3A_188 = vector.broadcast %parallel_loop3A_187 : f32 to vector<16xf32>
        %parallel_loop3A_189 = arith.mulf %parallel_loop3A_186, %parallel_loop3A_188 : vector<16xf32>
        %parallel_loop3A_190 = arith.fptosi %parallel_loop3A_189 : vector<16xf32> to vector<16xi32>
        %parallel_loop3A_191 = vector.bitcast %parallel_loop3A_190 : vector<16xi32> to vector<16xi32>
        %parallel_loop3A_192 = arith.constant 255 : i32
        %parallel_loop3A_193 = vector.broadcast %parallel_loop3A_192 : i32 to vector<16xi32>
        %parallel_loop3A_194 = arith.minui %parallel_loop3A_191, %parallel_loop3A_193 : vector<16xi32>
        %parallel_loop3A_195 = vector.bitcast %parallel_loop3A_194 : vector<16xi32> to vector<16xi32>
        %parallel_loop3A_196 = tpu.vector_load_idx %arg5[%parallel_loop3A_195] : memref<256xf32, #tpu.memory_space<vmem>>[vector<16xi32>], vector<16xf32>,
        %parallel_loop3A_197 = arith.constant 1 : i32
        %parallel_loop3A_198 = arith.index_cast %parallel_loop3A_197 : i32 to index
        %parallel_loop3A_199 = arith.index_cast %parallel_loop3A_181 : i32 to index
        %parallel_loop3A_200 = arith.constant 0 : index
        %parallel_loop3A_201 = tpu.vector_load %arg7[%parallel_loop3A_198, %parallel_loop3A_199, %parallel_loop3A_200] {strides = array<i32>} : memref<2x200x128xf32, #tpu.memory_space<vmem>>, vector<16xf32>,
        tpu.vector_store %arg7[%parallel_loop3A_198, %parallel_loop3A_199, %parallel_loop3A_200], %parallel_loop3A_196 {strides = array<i32>} : memref<2x200x128xf32, #tpu.memory_space<vmem>>, vector<16xf32>,
        %parallel_loop3A_202 = arith.constant 1 : i32
        %parallel_loop3A_203 = arith.index_cast %parallel_loop3A_202 : i32 to index
        %parallel_loop3A_204 = arith.index_cast %parallel_loop3A_181 : i32 to index
        %parallel_loop3A_205 = arith.constant 16 : index
        %parallel_loop3A_206 = tpu.vector_load %arg6[%parallel_loop3A_203, %parallel_loop3A_204, %parallel_loop3A_205] {strides = array<i32>} : memref<2x200x128xf32, #tpu.memory_space<vmem>>, vector<16xf32>,
        %parallel_loop3A_207 = arith.constant 2.550000e+02 : f32
        %parallel_loop3A_208 = vector.broadcast %parallel_loop3A_207 : f32 to vector<16xf32>
        %parallel_loop3A_209 = arith.mulf %parallel_loop3A_206, %parallel_loop3A_208 : vector<16xf32>
        %parallel_loop3A_210 = arith.fptosi %parallel_loop3A_209 : vector<16xf32> to vector<16xi32>
        %parallel_loop3A_211 = vector.bitcast %parallel_loop3A_210 : vector<16xi32> to vector<16xi32>
        %parallel_loop3A_212 = arith.constant 255 : i32
        %parallel_loop3A_213 = vector.broadcast %parallel_loop3A_212 : i32 to vector<16xi32>
        %parallel_loop3A_214 = arith.minui %parallel_loop3A_211, %parallel_loop3A_213 : vector<16xi32>
        %parallel_loop3A_215 = vector.bitcast %parallel_loop3A_214 : vector<16xi32> to vector<16xi32>
        %parallel_loop3A_216 = tpu.vector_load_idx %arg5[%parallel_loop3A_215] : memref<256xf32, #tpu.memory_space<vmem>>[vector<16xi32>], vector<16xf32>,
        %parallel_loop3A_217 = arith.constant 1 : i32
        %parallel_loop3A_218 = arith.index_cast %parallel_loop3A_217 : i32 to index
        %parallel_loop3A_219 = arith.index_cast %parallel_loop3A_181 : i32 to index
        %parallel_loop3A_220 = arith.constant 16 : index
        %parallel_loop3A_221 = tpu.vector_load %arg7[%parallel_loop3A_218, %parallel_loop3A_219, %parallel_loop3A_220] {strides = array<i32>} : memref<2x200x128xf32, #tpu.memory_space<vmem>>, vector<16xf32>,
        tpu.vector_store %arg7[%parallel_loop3A_218, %parallel_loop3A_219, %parallel_loop3A_220], %parallel_loop3A_216 {strides = array<i32>} : memref<2x200x128xf32, #tpu.memory_space<vmem>>, vector<16xf32>,
        %parallel_loop3A_222 = arith.constant 1 : i32
        %parallel_loop3A_223 = arith.index_cast %parallel_loop3A_222 : i32 to index
        %parallel_loop3A_224 = arith.index_cast %parallel_loop3A_181 : i32 to index
        %parallel_loop3A_225 = arith.constant 32 : index
        %parallel_loop3A_226 = tpu.vector_load %arg6[%parallel_loop3A_223, %parallel_loop3A_224, %parallel_loop3A_225] {strides = array<i32>} : memref<2x200x128xf32, #tpu.memory_space<vmem>>, vector<16xf32>,
        %parallel_loop3A_227 = arith.constant 2.550000e+02 : f32
        %parallel_loop3A_228 = vector.broadcast %parallel_loop3A_227 : f32 to vector<16xf32>
        %parallel_loop3A_229 = arith.mulf %parallel_loop3A_226, %parallel_loop3A_228 : vector<16xf32>
        %parallel_loop3A_230 = arith.fptosi %parallel_loop3A_229 : vector<16xf32> to vector<16xi32>
        %parallel_loop3A_231 = vector.bitcast %parallel_loop3A_230 : vector<16xi32> to vector<16xi32>
        %parallel_loop3A_232 = arith.constant 255 : i32
        %parallel_loop3A_233 = vector.broadcast %parallel_loop3A_232 : i32 to vector<16xi32>
        %parallel_loop3A_234 = arith.minui %parallel_loop3A_231, %parallel_loop3A_233 : vector<16xi32>
        %parallel_loop3A_235 = vector.bitcast %parallel_loop3A_234 : vector<16xi32> to vector<16xi32>
        %parallel_loop3A_236 = tpu.vector_load_idx %arg5[%parallel_loop3A_235] : memref<256xf32, #tpu.memory_space<vmem>>[vector<16xi32>], vector<16xf32>,
        %parallel_loop3A_237 = arith.constant 1 : i32
        %parallel_loop3A_238 = arith.index_cast %parallel_loop3A_237 : i32 to index
        %parallel_loop3A_239 = arith.index_cast %parallel_loop3A_181 : i32 to index
        %parallel_loop3A_240 = arith.constant 32 : index
        %parallel_loop3A_241 = tpu.vector_load %arg7[%parallel_loop3A_238, %parallel_loop3A_239, %parallel_loop3A_240] {strides = array<i32>} : memref<2x200x128xf32, #tpu.memory_space<vmem>>, vector<16xf32>,
        tpu.vector_store %arg7[%parallel_loop3A_238, %parallel_loop3A_239, %parallel_loop3A_240], %parallel_loop3A_236 {strides = array<i32>} : memref<2x200x128xf32, #tpu.memory_space<vmem>>, vector<16xf32>,
        %parallel_loop3A_242 = arith.constant 1 : i32
        %parallel_loop3A_243 = arith.index_cast %parallel_loop3A_242 : i32 to index
        %parallel_loop3A_244 = arith.index_cast %parallel_loop3A_181 : i32 to index
        %parallel_loop3A_245 = arith.constant 48 : index
        %parallel_loop3A_246 = tpu.vector_load %arg6[%parallel_loop3A_243, %parallel_loop3A_244, %parallel_loop3A_245] {strides = array<i32>} : memref<2x200x128xf32, #tpu.memory_space<vmem>>, vector<16xf32>,
        %parallel_loop3A_247 = arith.constant 2.550000e+02 : f32
        %parallel_loop3A_248 = vector.broadcast %parallel_loop3A_247 : f32 to vector<16xf32>
        %parallel_loop3A_249 = arith.mulf %parallel_loop3A_246, %parallel_loop3A_248 : vector<16xf32>
        %parallel_loop3A_250 = arith.fptosi %parallel_loop3A_249 : vector<16xf32> to vector<16xi32>
        %parallel_loop3A_251 = vector.bitcast %parallel_loop3A_250 : vector<16xi32> to vector<16xi32>
        %parallel_loop3A_252 = arith.constant 255 : i32
        %parallel_loop3A_253 = vector.broadcast %parallel_loop3A_252 : i32 to vector<16xi32>
        %parallel_loop3A_254 = arith.minui %parallel_loop3A_251, %parallel_loop3A_253 : vector<16xi32>
        %parallel_loop3A_255 = vector.bitcast %parallel_loop3A_254 : vector<16xi32> to vector<16xi32>
        %parallel_loop3A_256 = tpu.vector_load_idx %arg5[%parallel_loop3A_255] : memref<256xf32, #tpu.memory_space<vmem>>[vector<16xi32>], vector<16xf32>,
        %parallel_loop3A_257 = arith.constant 1 : i32
        %parallel_loop3A_258 = arith.index_cast %parallel_loop3A_257 : i32 to index
        %parallel_loop3A_259 = arith.index_cast %parallel_loop3A_181 : i32 to index
        %parallel_loop3A_260 = arith.constant 48 : index
        %parallel_loop3A_261 = tpu.vector_load %arg7[%parallel_loop3A_258, %parallel_loop3A_259, %parallel_loop3A_260] {strides = array<i32>} : memref<2x200x128xf32, #tpu.memory_space<vmem>>, vector<16xf32>,
        tpu.vector_store %arg7[%parallel_loop3A_258, %parallel_loop3A_259, %parallel_loop3A_260], %parallel_loop3A_256 {strides = array<i32>} : memref<2x200x128xf32, #tpu.memory_space<vmem>>, vector<16xf32>,
        %parallel_loop3A_262 = arith.constant 1 : i32
        %parallel_loop3A_263 = arith.index_cast %parallel_loop3A_262 : i32 to index
        %parallel_loop3A_264 = arith.index_cast %parallel_loop3A_181 : i32 to index
        %parallel_loop3A_265 = arith.constant 64 : index
        %parallel_loop3A_266 = tpu.vector_load %arg6[%parallel_loop3A_263, %parallel_loop3A_264, %parallel_loop3A_265] {strides = array<i32>} : memref<2x200x128xf32, #tpu.memory_space<vmem>>, vector<16xf32>,
        %parallel_loop3A_267 = arith.constant 2.550000e+02 : f32
        %parallel_loop3A_268 = vector.broadcast %parallel_loop3A_267 : f32 to vector<16xf32>
        %parallel_loop3A_269 = arith.mulf %parallel_loop3A_266, %parallel_loop3A_268 : vector<16xf32>
        %parallel_loop3A_270 = arith.fptosi %parallel_loop3A_269 : vector<16xf32> to vector<16xi32>
        %parallel_loop3A_271 = vector.bitcast %parallel_loop3A_270 : vector<16xi32> to vector<16xi32>
        %parallel_loop3A_272 = arith.constant 255 : i32
        %parallel_loop3A_273 = vector.broadcast %parallel_loop3A_272 : i32 to vector<16xi32>
        %parallel_loop3A_274 = arith.minui %parallel_loop3A_271, %parallel_loop3A_273 : vector<16xi32>
        %parallel_loop3A_275 = vector.bitcast %parallel_loop3A_274 : vector<16xi32> to vector<16xi32>
        %parallel_loop3A_276 = tpu.vector_load_idx %arg5[%parallel_loop3A_275] : memref<256xf32, #tpu.memory_space<vmem>>[vector<16xi32>], vector<16xf32>,
        %parallel_loop3A_277 = arith.constant 1 : i32
        %parallel_loop3A_278 = arith.index_cast %parallel_loop3A_277 : i32 to index
        %parallel_loop3A_279 = arith.index_cast %parallel_loop3A_181 : i32 to index
        %parallel_loop3A_280 = arith.constant 64 : index
        %parallel_loop3A_281 = tpu.vector_load %arg7[%parallel_loop3A_278, %parallel_loop3A_279, %parallel_loop3A_280] {strides = array<i32>} : memref<2x200x128xf32, #tpu.memory_space<vmem>>, vector<16xf32>,
        tpu.vector_store %arg7[%parallel_loop3A_278, %parallel_loop3A_279, %parallel_loop3A_280], %parallel_loop3A_276 {strides = array<i32>} : memref<2x200x128xf32, #tpu.memory_space<vmem>>, vector<16xf32>,
        %parallel_loop3A_282 = arith.constant 1 : i32
        %parallel_loop3A_283 = arith.index_cast %parallel_loop3A_282 : i32 to index
        %parallel_loop3A_284 = arith.index_cast %parallel_loop3A_181 : i32 to index
        %parallel_loop3A_285 = arith.constant 80 : index
        %parallel_loop3A_286 = tpu.vector_load %arg6[%parallel_loop3A_283, %parallel_loop3A_284, %parallel_loop3A_285] {strides = array<i32>} : memref<2x200x128xf32, #tpu.memory_space<vmem>>, vector<16xf32>,
        %parallel_loop3A_287 = arith.constant 2.550000e+02 : f32
        %parallel_loop3A_288 = vector.broadcast %parallel_loop3A_287 : f32 to vector<16xf32>
        %parallel_loop3A_289 = arith.mulf %parallel_loop3A_286, %parallel_loop3A_288 : vector<16xf32>
        %parallel_loop3A_290 = arith.fptosi %parallel_loop3A_289 : vector<16xf32> to vector<16xi32>
        %parallel_loop3A_291 = vector.bitcast %parallel_loop3A_290 : vector<16xi32> to vector<16xi32>
        %parallel_loop3A_292 = arith.constant 255 : i32
        %parallel_loop3A_293 = vector.broadcast %parallel_loop3A_292 : i32 to vector<16xi32>
        %parallel_loop3A_294 = arith.minui %parallel_loop3A_291, %parallel_loop3A_293 : vector<16xi32>
        %parallel_loop3A_295 = vector.bitcast %parallel_loop3A_294 : vector<16xi32> to vector<16xi32>
        %parallel_loop3A_296 = tpu.vector_load_idx %arg5[%parallel_loop3A_295] : memref<256xf32, #tpu.memory_space<vmem>>[vector<16xi32>], vector<16xf32>,
        %parallel_loop3A_297 = arith.constant 1 : i32
        %parallel_loop3A_298 = arith.index_cast %parallel_loop3A_297 : i32 to index
        %parallel_loop3A_299 = arith.index_cast %parallel_loop3A_181 : i32 to index
        %parallel_loop3A_300 = arith.constant 80 : index
        %parallel_loop3A_301 = tpu.vector_load %arg7[%parallel_loop3A_298, %parallel_loop3A_299, %parallel_loop3A_300] {strides = array<i32>} : memref<2x200x128xf32, #tpu.memory_space<vmem>>, vector<16xf32>,
        tpu.vector_store %arg7[%parallel_loop3A_298, %parallel_loop3A_299, %parallel_loop3A_300], %parallel_loop3A_296 {strides = array<i32>} : memref<2x200x128xf32, #tpu.memory_space<vmem>>, vector<16xf32>,
        %parallel_loop3A_302 = arith.constant 1 : i32
        %parallel_loop3A_303 = arith.index_cast %parallel_loop3A_302 : i32 to index
        %parallel_loop3A_304 = arith.index_cast %parallel_loop3A_181 : i32 to index
        %parallel_loop3A_305 = arith.constant 96 : index
        %parallel_loop3A_306 = tpu.vector_load %arg6[%parallel_loop3A_303, %parallel_loop3A_304, %parallel_loop3A_305] {strides = array<i32>} : memref<2x200x128xf32, #tpu.memory_space<vmem>>, vector<16xf32>,
        %parallel_loop3A_307 = arith.constant 2.550000e+02 : f32
        %parallel_loop3A_308 = vector.broadcast %parallel_loop3A_307 : f32 to vector<16xf32>
        %parallel_loop3A_309 = arith.mulf %parallel_loop3A_306, %parallel_loop3A_308 : vector<16xf32>
        %parallel_loop3A_310 = arith.fptosi %parallel_loop3A_309 : vector<16xf32> to vector<16xi32>
        %parallel_loop3A_311 = vector.bitcast %parallel_loop3A_310 : vector<16xi32> to vector<16xi32>
        %parallel_loop3A_312 = arith.constant 255 : i32
        %parallel_loop3A_313 = vector.broadcast %parallel_loop3A_312 : i32 to vector<16xi32>
        %parallel_loop3A_314 = arith.minui %parallel_loop3A_311, %parallel_loop3A_313 : vector<16xi32>
        %parallel_loop3A_315 = vector.bitcast %parallel_loop3A_314 : vector<16xi32> to vector<16xi32>
        %parallel_loop3A_316 = tpu.vector_load_idx %arg5[%parallel_loop3A_315] : memref<256xf32, #tpu.memory_space<vmem>>[vector<16xi32>], vector<16xf32>,
        %parallel_loop3A_317 = arith.constant 1 : i32
        %parallel_loop3A_318 = arith.index_cast %parallel_loop3A_317 : i32 to index
        %parallel_loop3A_319 = arith.index_cast %parallel_loop3A_181 : i32 to index
        %parallel_loop3A_320 = arith.constant 96 : index
        %parallel_loop3A_321 = tpu.vector_load %arg7[%parallel_loop3A_318, %parallel_loop3A_319, %parallel_loop3A_320] {strides = array<i32>} : memref<2x200x128xf32, #tpu.memory_space<vmem>>, vector<16xf32>,
        tpu.vector_store %arg7[%parallel_loop3A_318, %parallel_loop3A_319, %parallel_loop3A_320], %parallel_loop3A_316 {strides = array<i32>} : memref<2x200x128xf32, #tpu.memory_space<vmem>>, vector<16xf32>,
        %parallel_loop3A_322 = arith.constant 1 : i32
        %parallel_loop3A_323 = arith.index_cast %parallel_loop3A_322 : i32 to index
        %parallel_loop3A_324 = arith.index_cast %parallel_loop3A_181 : i32 to index
        %parallel_loop3A_325 = arith.constant 112 : index
        %parallel_loop3A_326 = tpu.vector_load %arg6[%parallel_loop3A_323, %parallel_loop3A_324, %parallel_loop3A_325] {strides = array<i32>} : memref<2x200x128xf32, #tpu.memory_space<vmem>>, vector<16xf32>,
        %parallel_loop3A_327 = arith.constant 2.550000e+02 : f32
        %parallel_loop3A_328 = vector.broadcast %parallel_loop3A_327 : f32 to vector<16xf32>
        %parallel_loop3A_329 = arith.mulf %parallel_loop3A_326, %parallel_loop3A_328 : vector<16xf32>
        %parallel_loop3A_330 = arith.fptosi %parallel_loop3A_329 : vector<16xf32> to vector<16xi32>
        %parallel_loop3A_331 = vector.bitcast %parallel_loop3A_330 : vector<16xi32> to vector<16xi32>
        %parallel_loop3A_332 = arith.constant 255 : i32
        %parallel_loop3A_333 = vector.broadcast %parallel_loop3A_332 : i32 to vector<16xi32>
        %parallel_loop3A_334 = arith.minui %parallel_loop3A_331, %parallel_loop3A_333 : vector<16xi32>
        %parallel_loop3A_335 = vector.bitcast %parallel_loop3A_334 : vector<16xi32> to vector<16xi32>
        %parallel_loop3A_336 = tpu.vector_load_idx %arg5[%parallel_loop3A_335] : memref<256xf32, #tpu.memory_space<vmem>>[vector<16xi32>], vector<16xf32>,
        %parallel_loop3A_337 = arith.constant 1 : i32
        %parallel_loop3A_338 = arith.index_cast %parallel_loop3A_337 : i32 to index
        %parallel_loop3A_339 = arith.index_cast %parallel_loop3A_181 : i32 to index
        %parallel_loop3A_340 = arith.constant 112 : index
        %parallel_loop3A_341 = tpu.vector_load %arg7[%parallel_loop3A_338, %parallel_loop3A_339, %parallel_loop3A_340] {strides = array<i32>} : memref<2x200x128xf32, #tpu.memory_space<vmem>>, vector<16xf32>,
        tpu.vector_store %arg7[%parallel_loop3A_338, %parallel_loop3A_339, %parallel_loop3A_340], %parallel_loop3A_336 {strides = array<i32>} : memref<2x200x128xf32, #tpu.memory_space<vmem>>, vector<16xf32>,
      } {sc.loop_unroll_factor = 4 : i64, sc.parallel_access}
      %dma_start3A_158 = arith.constant 1 : i32
      %dma_start3A_159 = arith.constant 1 : i32
      %dma_start3A_160 = arith.constant 0 : i32
      %dma_start3A_161 = arith.constant 0 : i32
      %dma_start3A_162 = tpu.memref_slice %arg7[%dma_start3A_158, %dma_start3A_160, %dma_start3A_161] : memref<2x200x128xf32, #tpu.memory_space<vmem>> -> memref<1x200x128xf32, #tpu.memory_space<vmem>>
      %dma_start3A_163 = tpu.memref_squeeze %dma_start3A_162 : memref<1x200x128xf32, #tpu.memory_space<vmem>> -> memref<200x128xf32, #tpu.memory_space<vmem>>
      %dma_start3A_164 = arith.constant 0 : i32
      %dma_start3A_165 = tpu.memref_slice %arg4[%dma_start3A_164, %add3A_133] : memref<200x16384xf32, #tpu.memory_space<hbm>> -> memref<200x128xf32, #tpu.memory_space<hbm>>
      %dma_start3A_166 = tpu.memref_slice %arg9[%dma_start3A_159] : memref<2x!tpu.dma_semaphore, #tpu.memory_space<semaphore_mem>> -> memref<1x!tpu.dma_semaphore, #tpu.memory_space<semaphore_mem>>
      %dma_start3A_167 = tpu.memref_squeeze %dma_start3A_166 : memref<1x!tpu.dma_semaphore, #tpu.memory_space<semaphore_mem>> -> memref<!tpu.dma_semaphore, #tpu.memory_space<semaphore_mem>>
      %dma_start3A_168 = arith.constant 0 : i32
      %dma_start3A_169 = tpu.memref_slice %arg4[%dma_start3A_168, %add3A_133] : memref<200x16384xf32, #tpu.memory_space<hbm>> -> memref<200x128xf32, #tpu.memory_space<hbm>>
      %dma_start3A_170 = arith.constant 0 : i32
      %dma_start3A_171 = arith.constant 0 : i32
      %dma_start3A_172 = tpu.memref_slice %arg7[%dma_start3A_158, %dma_start3A_170, %dma_start3A_171] : memref<2x200x128xf32, #tpu.memory_space<vmem>> -> memref<1x200x128xf32, #tpu.memory_space<vmem>>
      %dma_start3A_173 = tpu.memref_squeeze %dma_start3A_172 : memref<1x200x128xf32, #tpu.memory_space<vmem>> -> memref<200x128xf32, #tpu.memory_space<vmem>>
      tpu.enqueue_dma source(%dma_start3A_173 : memref<200x128xf32, #tpu.memory_space<vmem>>) target(%dma_start3A_169 : memref<200x128xf32, #tpu.memory_space<hbm>>) target_semaphore(%dma_start3A_167 : memref<!tpu.dma_semaphore, #tpu.memory_space<semaphore_mem>>)
      %add3A_174 = arith.constant 2 : i32
      %add3A_175 = arith.addi %add3A_81, %add3A_174 : i32
      %lt3A_176 = arith.constant 4 : i32
      %lt3A_177 = arith.cmpi slt, %add3A_175, %lt3A_176 : i32
      %convert_element_type3A_178 = arith.extui %lt3A_177 : i1 to i32
      %cond3A_179 = arith.constant 0 : i32
      %cond3A_180 = arith.cmpi ne, %convert_element_type3A_178, %cond3A_179 : i32
      scf.if %cond3A_180 {
        %add3A_181 = arith.constant 256 : i32
        %add3A_182 = arith.addi %add3A_133, %add3A_181 : i32
        %dma_start3A_183 = arith.constant 1 : i32
        %dma_start3A_184 = arith.constant 1 : i32
        %dma_start3A_185 = arith.constant 0 : i32
        %dma_start3A_186 = arith.constant 0 : i32
        %dma_start3A_187 = tpu.memref_slice %arg6[%dma_start3A_183, %dma_start3A_185, %dma_start3A_186] : memref<2x200x128xf32, #tpu.memory_space<vmem>> -> memref<1x200x128xf32, #tpu.memory_space<vmem>>
        %dma_start3A_188 = tpu.memref_squeeze %dma_start3A_187 : memref<1x200x128xf32, #tpu.memory_space<vmem>> -> memref<200x128xf32, #tpu.memory_space<vmem>>
        %dma_start3A_189 = arith.constant 0 : i32
        %dma_start3A_190 = tpu.memref_slice %arg2[%dma_start3A_189, %add3A_182] : memref<200x16384xf32, #tpu.memory_space<hbm>> -> memref<200x128xf32, #tpu.memory_space<hbm>>
        %dma_start3A_191 = tpu.memref_slice %arg8[%dma_start3A_184] : memref<2x!tpu.dma_semaphore, #tpu.memory_space<semaphore_mem>> -> memref<1x!tpu.dma_semaphore, #tpu.memory_space<semaphore_mem>>
        %dma_start3A_192 = tpu.memref_squeeze %dma_start3A_191 : memref<1x!tpu.dma_semaphore, #tpu.memory_space<semaphore_mem>> -> memref<!tpu.dma_semaphore, #tpu.memory_space<semaphore_mem>>
        %dma_start3A_193 = arith.constant 0 : i32
        %dma_start3A_194 = arith.constant 0 : i32
        %dma_start3A_195 = tpu.memref_slice %arg6[%dma_start3A_183, %dma_start3A_193, %dma_start3A_194] : memref<2x200x128xf32, #tpu.memory_space<vmem>> -> memref<1x200x128xf32, #tpu.memory_space<vmem>>
        %dma_start3A_196 = tpu.memref_squeeze %dma_start3A_195 : memref<1x200x128xf32, #tpu.memory_space<vmem>> -> memref<200x128xf32, #tpu.memory_space<vmem>>
        %dma_start3A_197 = arith.constant 0 : i32
        %dma_start3A_198 = tpu.memref_slice %arg2[%dma_start3A_197, %add3A_182] : memref<200x16384xf32, #tpu.memory_space<hbm>> -> memref<200x128xf32, #tpu.memory_space<hbm>>
        tpu.enqueue_dma source(%dma_start3A_198 : memref<200x128xf32, #tpu.memory_space<hbm>>) target(%dma_start3A_196 : memref<200x128xf32, #tpu.memory_space<vmem>>) target_semaphore(%dma_start3A_192 : memref<!tpu.dma_semaphore, #tpu.memory_space<semaphore_mem>>)
      } else {
      }
    }
    %scan3A_41 = arith.constant 2 : i32
    %add3A_42 = arith.constant 256 : i32
    %add3A_43 = arith.addi %mul3A_2, %add3A_42 : i32
    %dma_wait3A = arith.constant 0 : i32
    %dma_wait3A_44 = arith.constant 0 : i32
    %dma_wait3A_45 = arith.constant 0 : i32
    %dma_wait3A_46 = arith.constant 0 : i32
    %dma_wait3A_47 = tpu.memref_slice %arg7[%dma_wait3A, %dma_wait3A_45, %dma_wait3A_46] : memref<2x200x128xf32, #tpu.memory_space<vmem>> -> memref<1x200x128xf32, #tpu.memory_space<vmem>>
    %dma_wait3A_48 = tpu.memref_squeeze %dma_wait3A_47 : memref<1x200x128xf32, #tpu.memory_space<vmem>> -> memref<200x128xf32, #tpu.memory_space<vmem>>
    %dma_wait3A_49 = arith.constant 0 : i32
    %dma_wait3A_50 = tpu.memref_slice %arg4[%dma_wait3A_49, %add3A_43] : memref<200x16384xf32, #tpu.memory_space<hbm>> -> memref<200x128xf32, #tpu.memory_space<hbm>>
    %dma_wait3A_51 = tpu.memref_slice %arg9[%dma_wait3A_44] : memref<2x!tpu.dma_semaphore, #tpu.memory_space<semaphore_mem>> -> memref<1x!tpu.dma_semaphore, #tpu.memory_space<semaphore_mem>>
    %dma_wait3A_52 = tpu.memref_squeeze %dma_wait3A_51 : memref<1x!tpu.dma_semaphore, #tpu.memory_space<semaphore_mem>> -> memref<!tpu.dma_semaphore, #tpu.memory_space<semaphore_mem>>
    %dma_wait3A_53 = arith.constant 0 : i32
    %dma_wait3A_54 = tpu.memref_slice %arg4[%dma_wait3A_53, %add3A_43] : memref<200x16384xf32, #tpu.memory_space<hbm>> -> memref<200x128xf32, #tpu.memory_space<hbm>>
    %dma_wait3A_55 = arith.constant 0 : i32
    %dma_wait3A_56 = arith.constant 0 : i32
    %dma_wait3A_57 = tpu.memref_slice %arg7[%dma_wait3A, %dma_wait3A_55, %dma_wait3A_56] : memref<2x200x128xf32, #tpu.memory_space<vmem>> -> memref<1x200x128xf32, #tpu.memory_space<vmem>>
    %dma_wait3A_58 = tpu.memref_squeeze %dma_wait3A_57 : memref<1x200x128xf32, #tpu.memory_space<vmem>> -> memref<200x128xf32, #tpu.memory_space<vmem>>
    tpu.wait_dma2 semaphore(%dma_wait3A_52 : memref<!tpu.dma_semaphore, #tpu.memory_space<semaphore_mem>>) src(%dma_wait3A_58 : memref<200x128xf32, #tpu.memory_space<vmem>>) dst(%dma_wait3A_54 : memref<200x128xf32, #tpu.memory_space<hbm>>)
    %add3A_59 = arith.constant 384 : i32
    %add3A_60 = arith.addi %mul3A_2, %add3A_59 : i32
    %dma_wait3A_61 = arith.constant 1 : i32
    %dma_wait3A_62 = arith.constant 1 : i32
    %dma_wait3A_63 = arith.constant 0 : i32
    %dma_wait3A_64 = arith.constant 0 : i32
    %dma_wait3A_65 = tpu.memref_slice %arg7[%dma_wait3A_61, %dma_wait3A_63, %dma_wait3A_64] : memref<2x200x128xf32, #tpu.memory_space<vmem>> -> memref<1x200x128xf32, #tpu.memory_space<vmem>>
    %dma_wait3A_66 = tpu.memref_squeeze %dma_wait3A_65 : memref<1x200x128xf32, #tpu.memory_space<vmem>> -> memref<200x128xf32, #tpu.memory_space<vmem>>
    %dma_wait3A_67 = arith.constant 0 : i32
    %dma_wait3A_68 = tpu.memref_slice %arg4[%dma_wait3A_67, %add3A_60] : memref<200x16384xf32, #tpu.memory_space<hbm>> -> memref<200x128xf32, #tpu.memory_space<hbm>>
    %dma_wait3A_69 = tpu.memref_slice %arg9[%dma_wait3A_62] : memref<2x!tpu.dma_semaphore, #tpu.memory_space<semaphore_mem>> -> memref<1x!tpu.dma_semaphore, #tpu.memory_space<semaphore_mem>>
    %dma_wait3A_70 = tpu.memref_squeeze %dma_wait3A_69 : memref<1x!tpu.dma_semaphore, #tpu.memory_space<semaphore_mem>> -> memref<!tpu.dma_semaphore, #tpu.memory_space<semaphore_mem>>
    %dma_wait3A_71 = arith.constant 0 : i32
    %dma_wait3A_72 = tpu.memref_slice %arg4[%dma_wait3A_71, %add3A_60] : memref<200x16384xf32, #tpu.memory_space<hbm>> -> memref<200x128xf32, #tpu.memory_space<hbm>>
    %dma_wait3A_73 = arith.constant 0 : i32
    %dma_wait3A_74 = arith.constant 0 : i32
    %dma_wait3A_75 = tpu.memref_slice %arg7[%dma_wait3A_61, %dma_wait3A_73, %dma_wait3A_74] : memref<2x200x128xf32, #tpu.memory_space<vmem>> -> memref<1x200x128xf32, #tpu.memory_space<vmem>>
    %dma_wait3A_76 = tpu.memref_squeeze %dma_wait3A_75 : memref<1x200x128xf32, #tpu.memory_space<vmem>> -> memref<200x128xf32, #tpu.memory_space<vmem>>
    tpu.wait_dma2 semaphore(%dma_wait3A_70 : memref<!tpu.dma_semaphore, #tpu.memory_space<semaphore_mem>>) src(%dma_wait3A_76 : memref<200x128xf32, #tpu.memory_space<vmem>>) dst(%dma_wait3A_72 : memref<200x128xf32, #tpu.memory_space<hbm>>)
    return
  }
}

</mosaic_0001>

<sc_bundles>
// kernel: _run.3.cloned.1.call-start
scs
__scs_entry_jumppad:
0x0: {  	(pc) =	sbr.rel $0x88, $3  }
0x1: {  	(tag) =	ssettag $0x0;
	lr =	simm.s32 $0x1  }
0x2: {  	[smem:$0x3F9F] =	sst lr;
	_ =	strace $0xD0000000  }
0x3: {  	_ = 	snop  }
0x4: {  	_ = 	snop  }
0x5: {  	_ = 	snop  }
0x6: {  	_ = 	snop  }
0x7: {  	_ = 	snop  }
__scs_overlays_trampoline_lowered:
0x8: {  	[smem:$0x3FAE] =	sst s0  }
0x9: {  	[smem:$0x3FAF] =	sst s1  }
0xa: {  	[smem:$0x3FB0] =	sst s2  }
0xb: {  	[smem:$0x3FB1] =	sst s3  }
0xc: {  	[smem:$0x3FB2] =	sst s4  }
0xd: {  	[smem:$0x3FB3] =	sst s5  }
0xe: {  	[smem:$0x3FB4] =	sst s6  }
0xf: {  	[smem:$0x3FB5] =	sst s7  }
0x10: {  	[smem:$0x3FB6] =	sst s8  }
0x11: {  	[smem:$0x3FB7] =	sst s9;
	s0 =	simm.s32 @!p0 $0x0  }
0x12: {  	s1 =	sld [smem:$0x3F9D];
	s0 =	simm.s32 @p0 $0x1  }
0x13: {  	[smem:$0x3FB8] =	sst s0;
	s0 =	simm.s32 @!p1 $0x0  }
0x14: {  	s2 =	sld [smem:$0x3F9C];
	s0 =	simm.s32 @p1 $0x1  }
0x15: {  	[smem:$0x3FB9] =	sst s0;
	s0 =	simm.s32 @!p2 $0x0  }
0x16: {  	s3 =	sld [smem:$0x3FDB];
	s0 =	simm.s32 @p2 $0x1  }
0x17: {  	s4 =	simm.s32 $0x1BF5;
	[smem:$0x3FBB] =	sst s0  }
0x18: {  	s0 =	sld [smem:$0x3F9E];
	_ =	swait.ge [sflag:s4], $0x0  }
0x19: {  	s7 =	sld [smem:$0x3F9F]  }
0x1a: {  	s8 =	sadd.s32 $0xFFFFE003, lr  }
0x1b: {  	s9 =	sadd.s32 $0xFFFFFEF7, lr;
	s5 =	simm.s32 $0xFFFFFFFF;
	p2 =	slt.u32 s8, $0xFFFFF086  }
0x1c: {  	p1 =	slt.u32 s9, $0xF7A;
	s5 =	simm.s32 @!p2 $0x0  }
0x1d: {  	s5 =	simm.s32 @p1 $0x1;
	p0 =	seq.s32 s7, s2  }
0x1e: {  	s7 =	smul.u32 @!p0 $0xF7A, s2;
	p2 =	seq.s32 @!p0 s5, $0x0  }
0x1f: {  	s9 =	smul.u32 $0xF7A, s1;
	s8 =	simm.s32 @!p0 $0x1BF5;
	p2 =	por !p2, p0  }
0x20: {  	[sflag:s8] =	ssyncset.s32 @!p0 $0xFFFFF086;
	s6 =	sadd.s32 @!p0 s3, s7;
	s7 =	simm.s32 @!p0 $0x108  }
0x21: {  	s3 =	sadd.s32 s3, s9;
	s6 =	sadd.s32 @!p0 $0x88, s6;
	s7 =	simm.s32 @p2 $0x1082  }
0x22: {  	[simem:s7], [sflag:s8] =	dma.local @!p0 [hbm:s6], $0xF7A  }
0x23: {  	s9 =	sor.u32 $0xD0000000, s2;
	s6 =	simm.s32 $0x108;
	_ =	swait.ge @!p0 [sflag:s8], $0x0  }
0x24: {  	s3 =	sadd.s32 $0x88, s3;
	s6 =	simm.s32 @!p1 $0x1082;
	[sflag:s4] =	ssyncset.s32 $0xFFFFF086  }
0x25: {  	[simem:s6], [sflag:s4] =	dma.local [hbm:s3], $0xF7A  }
0x26: {  	[smem:$0x3F9F] =	sst s1;
	(tag) =	ssettag s2;
	_ =	strace s9  }
0x27: {  	s1 =	sld [smem:$0x3FAF]  }
0x28: {  	s2 =	sld [smem:$0x3FB0]  }
0x29: {  	s4 =	sld [smem:$0x3FB2]  }
0x2a: {  	p0 =	seq.s32 s5, $0x0;
	s5 =	sld [smem:$0x3FB3]  }
0x2b: {  	s6 =	sld [smem:$0x3FB4]  }
0x2c: {  	s7 =	sld [smem:$0x3FB5]  }
0x2d: {  	s3 =	simm.s32 $0x108;
	s8 =	sld [smem:$0x3FB6]  }
0x2e: {  	s3 =	simm.s32 @!p0 $0x1082;
	s9 =	sld [smem:$0x3FB7]  }
0x2f: {  	lr =	sadd.s32 s0, s3;
	s0 =	sld [smem:$0x3FAE]  }
0x30: {  	s3 =	sld [smem:$0x3FB1]  }
0x31: {  	[smem:$0x3FBA] =	sst s10  }
0x32: {  	s10 =	sld [smem:$0x3FB8];
	_ =	sdelay $0x3  }
0x33: {  	p0 =	seq.s32 s10, $0x1;
	s10 =	sld [smem:$0x3FBA];
	_ =	sdelay $0x3  }
0x34: {  	[smem:$0x3FBA] =	sst s10  }
0x35: {  	s10 =	sld [smem:$0x3FB9];
	_ =	sdelay $0x3  }
0x36: {  	p1 =	seq.s32 s10, $0x1;
	s10 =	sld [smem:$0x3FBA];
	_ =	sdelay $0x3  }
0x37: {  	[smem:$0x3FBA] =	sst s10  }
0x38: {  	s10 =	sld [smem:$0x3FBB]  }
0x39: {  	_ = 	snop;
	(pc) =	sbr.ind lr, $3  }
0x3a: {  	_ = 	snop  }
0x3b: {  	_ = 	snop  }
0x3c: {  	p2 =	seq.s32 s10, $0x1;
	s10 =	sld [smem:$0x3FBA]  }
0x3d: {  	_ =	shalt  }
0x3e: {  	_ =	shalt  }
0x3f: {  	_ =	shalt  }
0x40: {  	_ =	shalt  }
0x41: {  	_ =	shalt  }
0x42: {  	_ =	shalt  }
0x43: {  	_ =	shalt  }
0x44: {  	_ =	shalt  }
0x45: {  	_ =	shalt  }
0x46: {  	_ =	shalt  }
0x47: {  	_ =	shalt  }
0x48: {  	_ =	shalt  }
0x49: {  	_ =	shalt  }
0x4a: {  	_ =	shalt  }
0x4b: {  	_ =	shalt  }
0x4c: {  	_ =	shalt  }
0x4d: {  	_ =	shalt  }
0x4e: {  	_ =	shalt  }
0x4f: {  	_ =	shalt  }
0x50: {  	_ =	shalt  }
0x51: {  	_ =	shalt  }
0x52: {  	_ =	shalt  }
0x53: {  	_ =	shalt  }
0x54: {  	_ =	shalt  }
0x55: {  	_ =	shalt  }
0x56: {  	_ =	shalt  }
0x57: {  	_ =	shalt  }
0x58: {  	_ =	shalt  }
0x59: {  	_ =	shalt  }
0x5a: {  	_ =	shalt  }
0x5b: {  	_ =	shalt  }
0x5c: {  	_ =	shalt  }
0x5d: {  	_ =	shalt  }
0x5e: {  	_ =	shalt  }
0x5f: {  	_ =	shalt  }
0x60: {  	_ =	shalt  }
0x61: {  	_ =	shalt  }
0x62: {  	_ =	shalt  }
0x63: {  	_ =	shalt  }
0x64: {  	_ =	shalt  }
0x65: {  	_ =	shalt  }
0x66: {  	_ =	shalt  }
0x67: {  	_ =	shalt  }
0x68: {  	_ =	shalt  }
0x69: {  	_ =	shalt  }
0x6a: {  	_ =	shalt  }
0x6b: {  	_ =	shalt  }
0x6c: {  	_ =	shalt  }
0x6d: {  	_ =	shalt  }
0x6e: {  	_ =	shalt  }
0x6f: {  	_ =	shalt  }
0x70: {  	_ =	shalt  }
0x71: {  	_ =	shalt  }
0x72: {  	_ =	shalt  }
0x73: {  	_ =	shalt  }
0x74: {  	_ =	shalt  }
0x75: {  	_ =	shalt  }
0x76: {  	_ =	shalt  }
0x77: {  	_ =	shalt  }
0x78: {  	_ =	shalt  }
0x79: {  	_ =	shalt  }
0x7a: {  	_ =	shalt  }
0x7b: {  	_ =	shalt  }
0x7c: {  	_ =	shalt  }
0x7d: {  	_ =	shalt  }
0x7e: {  	_ =	shalt  }
0x7f: {  	_ =	shalt  }
0x80: {  	_ =	shalt  }
0x81: {  	_ =	shalt  }
0x82: {  	_ =	shalt  }
0x83: {  	_ =	shalt  }
0x84: {  	_ =	shalt  }
0x85: {  	_ =	shalt  }
0x86: {  	_ =	shalt  }
0x87: {  	_ =	shalt  }
.Lfunc_end0:
.L_simem_size_0:
called_computation_lowered:
.L_overlay_start_0:
0x88: {  	s2 =	sld [smem:$0x3FD9]  }
0x89: {  	s3 =	sld [smem:$0x3FFE];
	_ =	sdelay $0x1  }
0x8a: {  	s1 =	srdreg.scid  }
0x8b: {  	s0 =	sand.u32 $0x1, s1  }
0x8c: {  	s18 =	sshll.u32 s0, $0xA;
	s2 =	sadd.s32 s3, s2  }
0x8d: {  	s2 =	sadd.s32 s2, s18  }
0x8e: {  	[smem:$0x3FC6] =	sst s2  }
0x8f: {  	_ = 	snop  }
0x90: {  	s2 =	sld [smem:$0x3FC9]  }
0x91: {  	s19 =	sld [smem:$0x3FC8]  }
0x92: {  	s4 =	sld [smem:$0x3FD0];
	(tm) =	ssettm $0x1  }
0x93: {  	s5 =	sld [smem:$0x3FFB];
	_ =	sdelay $0x3  }
0x94: {  	_ =	strace s5  }
0x95: {  	s5 =	sld [smem:$0x3FFC];
	_ =	sdelay $0x3  }
0x96: {  	_ =	strace s5  }
0x97: {  	s5 =	sld [smem:$0x3FFD];
	_ =	sdelay $0x3  }
0x98: {  	_ =	strace s5  }
0x99: {  	_ =	strace $0x8FFFFFFF  }
0x9a: {  	s20 =	sld [smem:$0x3FDB];
	_ =	sdelay $0x1  }
0x9b: {  	s6 =	simm.s32 $_scs_section_size  }
0x9c: {  	s7 =	simm.s32 $_size__tile_overlayer_lowered;
	s8 =	simm.s32 $_tile_overlayer_lowered  }
0x9d: {  	s23 =	simm.s32 $0x1BFF;
	s22 =	sshll.u32 s8, $0x1;
	s5 =	sadd.s32 s6, s20  }
0x9e: {  	s9 =	simm.s32 $0x0;
	s21 =	sshll.u32 s7, $0x1;
	s7 =	sadd.s32 s22, s5  }
0x9f: {  	[timem:s9], [sflag:s23] =	dma.local [hbm:s7], s21  }
0xa0: {  	_ =	swait.ge [sflag:s23], s21  }
0xa1: {  	s6 =	ssub.s32 $0x0, s21;
	[sflag:s23] =	ssyncset.done $0x0  }
0xa2: {  	[sflag:s23] =	ssyncadd.s32 s6;
	_ =	sdelay $0x1  }
0xa3: {  	s24 =	simm.s32 $0x1B8B  }
0xa4: {  	_ =	swait.ge [sflag:s24], $0x1  }
0xa5: {  	[sflag:s24] =	ssyncset.done $0x0  }
0xa6: {  	s25 =	simm.s32 $0x1B8E;
	[sflag:s24] =	ssyncadd.s32 $0xFFFFFFFF  }
0xa7: {  	s26 =	simm.s32 $execute0_lowered;
	[smem:$0x3FD2] =	sst s25  }
0xa8: {  	s6 =	sshll.u32 s26, $0x1;
	_ =	strace $0x80000046;
	[dreg:$0x1] =	wrdreg $0xFFFFFFFF  }
0xa9: {  	s28 =	simm.s32 $_size_execute0_lowered;
	s5 =	sadd.s32 s5, s6;
	[dreg:$0x0] =	wrdreg $0x0  }
0xaa: {  	s6 =	sshll.u32 s28, $0x1;
	[dreg:$0x2] =	wrdreg s5  }
0xab: {  	[dreg:$0x3] =	wrdreg s6  }
0xac: {  	[dreg:$0x4] =	wrdreg $0xC0  }
0xad: {  	_ =	task [dreg:s9], $0x5FFFF  }
0xae: {  	[dreg:$0x1] =	wrdreg $0xFFFFFFFF  }
0xaf: {  	[dreg:$0x0] =	wrdreg $0x60  }
0xb0: {  	[dreg:$0x2] =	wrdreg s2  }
0xb1: {  	[dreg:$0x3] =	wrdreg s19  }
0xb2: {  	[dreg:$0x4] =	wrdreg s4  }
0xb3: {  	[dreg:$0x5] =	wrdreg $0x9  }
0xb4: {  	_ =	task.clear_ibuf [dreg:s9], $0x6FFFF;
	_ =	strace $0x90000046  }
0xb5: {  	s29 =	simm.s32 $0x9;
	_ =	strace $0x80000048  }
0xb6: {  	_ =	swait.ge [sflag:s29], $0x1  }
0xb7: {  	[sflag:s29] =	ssyncadd.s32 $0xFFFFFFFF  }
0xb8: {  	_ =	strace $0x90000048  }
0xb9: {  	_ =	sfence  }
0xba: {  	s30 =	sld [smem:$0x0];
	_ =	sdelay $0x2  }
0xbb: {  	s31 =	sshll.u32 s1, $0xD;
	s1 =	sshrl.u32 s1, $0x2  }
0xbc: {  	s3 =	sand.u32 $0x4000, s31;
	s1 =	sadd.s32 s1, s30  }
0xbd: {  	s0 =	sor.u32 s3, s0;
	s1 =	sshll.u32 s1, $0x11  }
0xbe: {  	s0 =	sor.u32 s1, s0  }
0xbf: {  	s0 =	sadd.s32 $0x8F2B, s0  }
0xc0: {  	[sflag:s0] =	ssyncadd.remote.s32 $0x1  }
0xc1: {  	_ =	sfence.sel $0xFFFF  }
0xc2: {  	[dreg:$0x0] =	wrdreg $0xFFFFFFFF;
	(pc) =	sbr.abs _section_cstart, $3  }
0xc3: {  	[dreg:$0x1] =	wrdreg $0xFFFFFFFF  }
0xc4: {  	_ =	task.clear_ibuf [dreg:s9], $0x2FFFF;
	_ =	strace $0x9FFFFFFF  }
0xc5: {  	(tm) =	ssettm $0x7FFFFFFF  }
tec
execute0_lowered:
.L_overlay_start_1:
0x0: {  	(tag) =	ssettag $0x1  }
0x1: {  	s0 =	rddreg [dreg:$0x0]  }
0x2: {  	s3 =	rddreg [dreg:$0x2];
	s1 =	srdreg.scid;
	s4 =	simm.s32 $0x0  }
0x3: {  	s5 =	stileid.u32;
	s12 =	simm.s32 $0x400;
	s13 =	simm.s32 $0x20000  }
0x4: {  	s14 =	simm.s32 $0x100;
	s15 =	simm.s32 $0x6500;
	s16 =	simm.s32 $0x5  }
0x5: {  	s17 =	simm.s32 $0x1;
	s18 =	simm.s32 $0xC900;
	s19 =	simm.s32 $0x2  }
0x6: {  	s20 =	simm.s32 $0x12D00;
	s21 =	simm.s32 $0x3;
	s22 =	simm.s32 $0x4  }
0x7: {  	s23 =	simm.s32 $0x0;
	s1 =	sand.u32 $0x1, s1;
	s5 =	sshll.u32 s5, $0xA  }
.Ltmp0:
0x8: {  	[smem:$0x7FF] =	sst s4;
	s2 =	ssub.s32 $0x2, s1;
	(pc) =	sbr.rel .LBB2_1-.Ltmp0, $4  }
0x9: {  	s8 =	sadd.s32 $0x100, s0;
	s1 =	sshll.u32 s1, $0x9;
	s6 =	sshrl.u32 s2, $0x1  }
0xa: {  	_ =	strace $0x80000047;
	s1 =	sor.u32 s1, s5;
	s2 =	ssub.s32 s2, s6  }
0xb: {  	s5 =	sadd.s32 s0, s1;
	s7 =	sadd.s32 s3, s1;
	s9 =	sadd.s32 s1, s8  }
0xc: {  	s11 =	sor.u32 $0x80, s1;
	s6 =	sadd.s32 $0x80, s5;
	s10 =	smax.u32 s2, $0x1  }
.LBB2_8:
0xd: {  	s23 =	sadd.s32 $0x1, s23  }
0xe: {  	_ =	swait.ge [sflag:s21], $0x6400;
	p0 =	sne.s32 s23, s10  }
.Ltmp1:
0xf: {  	[sflag:s21] =	ssyncset.done $0x0;
	(pc) =	sbr.rel @!p0 .LBB2_9-.Ltmp1, $4  }
0x10: {  	[sflag:s21] =	ssyncadd.s32 $0xFFFF9C00  }
0x11: {  	_ =	swait.ge [sflag:s22], $0x6400  }
0x12: {  	[sflag:s22] =	ssyncset.done $0x0  }
0x13: {  	[sflag:s22] =	ssyncadd.s32 $0xFFFF9C00  }
.LBB2_1:
0x14: {  	[tilespmem:s14], [sflag:$0x1] =	stream.strided.gather [hbm4b:s5+s12], $0x6400, s13, s12, $0x38;
	[tilespmem:$0x19100] =	vst v63  }
0x15: {  	_ = 	snop  }
0x16: {  	[tilespmem:s15], [sflag:$0x2] =	stream.strided.gather [hbm4b:s6+s12], $0x6400, s13, s12, $0x38;
	[tilespmem:$0x19100] =	vst v63  }
0x17: {  	s0 =	rddreg [dreg:$0x1]  }
0x18: {  	[tilespmem:s4], [sflag:$0x5] =	stream.linear.gather [hbm4b:s0+s4], $0x100, $0x38;
	[tilespmem:$0x19100] =	vst v63  }
0x19: {  	_ =	swait.ge [sflag:s16], $0x100  }
0x1a: {  	[sflag:s16] =	ssyncset.done $0x0  }
0x1b: {  	p0 =	por $0x1, $0x1;
	s24 =	simm.s32 $0x0;
	[sflag:s16] =	ssyncadd.s32 $0xFFFFFF00  }
.LBB2_2:
0x1c: {  	_ =	swait.ge [sflag:s17], $0x6400  }
0x1d: {  	[sflag:s17] =	ssyncset.done $0x0  }
0x1e: {  	s0 =	simm.s32 @!p0 $0x3;
	[sflag:s17] =	ssyncadd.s32 $0xFFFF9C00  }
0x1f: {  	_ =	swait.ge @!p0 [sflag:s0], $0x6400  }
0x20: {  	[sflag:s0] =	ssyncset.done @!p0 $0x0  }
0x21: {  	s26 =	simm.s32 $0x200;
	[sflag:s0] =	ssyncadd.s32 @!p0 $0xFFFF9C00  }
0x22: {  	v0 =	vld [tilespmem:s26+$0x80];
	_ =	sdelay $0x4  }
0x23: {  	v0 =	vmul.f32 $2.550000000e+02, v0;
	_ =	sdelay $0x1  }
0x24: {  	v0 =	vtrunc.f32 v0  }
0x25: {  	v0 =	vcvt.f32.s32 v0;
	_ =	sdelay $0x1  }
0x26: {  	v0 =	vmin.u32 v0, $0xFF;
	_ =	sdelay $0x3  }
0x27: {  	v1 =	vld [tilespmem:s26+$0xFFFFFF00]  }
0x28: {  	v0 =	vld.idx.msk [tilespmem:v0+s4+$0x0], $0xffff  }
0x29: {  	v2 =	vld [tilespmem:s26+$0xFFFFFF80];
	_ =	sdelay $0x2  }
0x2a: {  	s25 =	simm.s32 $0xCA00;
	v1 =	vmul.f32 $2.550000000e+02, v1  }
0x2b: {  	[tilespmem:s25+$0x80] =	vst v0  }
0x2c: {  	v1 =	vtrunc.f32 v1;
	v0 =	vmul.f32 $2.550000000e+02, v2;
	v2 =	vld [tilespmem:s26+$0x90]  }
0x2d: {  	v1 =	vcvt.f32.s32 v1  }
0x2e: {  	v0 =	vtrunc.f32 v0  }
0x2f: {  	v3 =	vld [tilespmem:s26+$0x0];
	v1 =	vmin.u32 v1, $0xFF;
	v0 =	vcvt.f32.s32 v0;
	_ =	sdelay $0x1  }
0x30: {  	v0 =	vmin.u32 v0, $0xFF;
	v2 =	vmul.f32 $2.550000000e+02, v2;
	_ =	sdelay $0x1  }
0x31: {  	v2 =	vtrunc.f32 v2  }
0x32: {  	v3 =	vmul.f32 $2.550000000e+02, v3;
	v1 =	vld.idx.msk [tilespmem:v1+s4+$0x0], $0xffff;
	v2 =	vcvt.f32.s32 v2;
	_ =	sdelay $0x1  }
0x33: {  	v3 =	vtrunc.f32 v3;
	v0 =	vld.idx.msk [tilespmem:v0+s4+$0x0], $0xffff;
	v2 =	vmin.u32 v2, $0xFF  }
0x34: {  	v3 =	vcvt.f32.s32 v3;
	_ =	sdelay $0x1  }
0x35: {  	v3 =	vmin.u32 v3, $0xFF;
	[tilespmem:s25+$0xFFFFFF00] =	vst v1  }
0x36: {  	v1 =	vld [tilespmem:s26+$0xFFFFFF10]  }
0x37: {  	[tilespmem:s25+$0xFFFFFF80] =	vst v0;
	v0 =	vld.idx.msk [tilespmem:v2+s4+$0x0], $0xffff  }
0x38: {  	v2 =	vld [tilespmem:s26+$0xFFFFFF90];
	_ =	sdelay $0x1  }
0x39: {  	v3 =	vld.idx.msk [tilespmem:v3+s4+$0x0], $0xffff  }
0x3a: {  	v1 =	vmul.f32 $2.550000000e+02, v1  }
0x3b: {  	[tilespmem:s25+$0x90] =	vst v0  }
0x3c: {  	v1 =	vtrunc.f32 v1;
	v0 =	vmul.f32 $2.550000000e+02, v2;
	v2 =	vld [tilespmem:s26+$0xA0]  }
0x3d: {  	v1 =	vcvt.f32.s32 v1  }
0x3e: {  	[tilespmem:s25+$0x0] =	vst v3;
	v0 =	vtrunc.f32 v0  }
0x3f: {  	v3 =	vld [tilespmem:s26+$0x10];
	v1 =	vmin.u32 v1, $0xFF;
	v0 =	vcvt.f32.s32 v0;
	_ =	sdelay $0x1  }
0x40: {  	v0 =	vmin.u32 v0, $0xFF;
	v2 =	vmul.f32 $2.550000000e+02, v2;
	_ =	sdelay $0x1  }
0x41: {  	v2 =	vtrunc.f32 v2  }
0x42: {  	v3 =	vmul.f32 $2.550000000e+02, v3;
	v1 =	vld.idx.msk [tilespmem:v1+s4+$0x0], $0xffff;
	v2 =	vcvt.f32.s32 v2;
	_ =	sdelay $0x1  }
0x43: {  	v3 =	vtrunc.f32 v3;
	v0 =	vld.idx.msk [tilespmem:v0+s4+$0x0], $0xffff;
	v2 =	vmin.u32 v2, $0xFF  }
0x44: {  	v3 =	vcvt.f32.s32 v3;
	_ =	sdelay $0x1  }
0x45: {  	v3 =	vmin.u32 v3, $0xFF;
	[tilespmem:s25+$0xFFFFFF10] =	vst v1  }
0x46: {  	v1 =	vld [tilespmem:s26+$0xFFFFFF20]  }
0x47: {  	[tilespmem:s25+$0xFFFFFF90] =	vst v0;
	v0 =	vld.idx.msk [tilespmem:v2+s4+$0x0], $0xffff  }
0x48: {  	v2 =	vld [tilespmem:s26+$0xFFFFFFA0];
	_ =	sdelay $0x1  }
0x49: {  	s29 =	simm.s32 $0x400;
	v3 =	vld.idx.msk [tilespmem:v3+s4+$0x0], $0xffff  }
0x4a: {  	v4 =	vld [tilespmem:s29+$0x80];
	v1 =	vmul.f32 $2.550000000e+02, v1  }
0x4b: {  	[tilespmem:s25+$0xA0] =	vst v0  }
0x4c: {  	v0 =	vtrunc.f32 v1;
	v1 =	vmul.f32 $2.550000000e+02, v2;
	v2 =	vld [tilespmem:s26+$0xB0]  }
0x4d: {  	v0 =	vcvt.f32.s32 v0  }
0x4e: {  	[tilespmem:s25+$0x10] =	vst v3;
	v1 =	vtrunc.f32 v1  }
0x4f: {  	v4 =	vmul.f32 $2.550000000e+02, v4;
	v3 =	vld [tilespmem:s26+$0x20];
	v0 =	vmin.u32 v0, $0xFF;
	v1 =	vcvt.f32.s32 v1;
	_ =	sdelay $0x1  }
0x50: {  	v4 =	vtrunc.f32 v4;
	v1 =	vmin.u32 v1, $0xFF;
	v2 =	vmul.f32 $2.550000000e+02, v2  }
0x51: {  	v4 =	vcvt.f32.s32 v4  }
0x52: {  	v5 =	vld [tilespmem:s29+$0xFFFFFF00];
	v2 =	vtrunc.f32 v2  }
0x53: {  	v4 =	vmin.u32 v4, $0xFF;
	v3 =	vmul.f32 $2.550000000e+02, v3;
	v0 =	vld.idx.msk [tilespmem:v0+s4+$0x0], $0xffff;
	v2 =	vcvt.f32.s32 v2  }
0x54: {  	v6 =	vld [tilespmem:s29+$0xFFFFFF80]  }
0x55: {  	v3 =	vtrunc.f32 v3;
	v1 =	vld.idx.msk [tilespmem:v1+s4+$0x0], $0xffff;
	v2 =	vmin.u32 v2, $0xFF  }
0x56: {  	v7 =	vld [tilespmem:s29+$0x0];
	v3 =	vcvt.f32.s32 v3  }
0x57: {  	v5 =	vmul.f32 $2.550000000e+02, v5  }
0x58: {  	v3 =	vmin.u32 v3, $0xFF;
	[tilespmem:s25+$0xFFFFFF20] =	vst v0;
	v0 =	vld.idx.msk [tilespmem:v4+s4+$0x0], $0xffff  }
0x59: {  	v5 =	vtrunc.f32 v5;
	v4 =	vmul.f32 $2.550000000e+02, v6;
	v6 =	vld [tilespmem:s26+$0xFFFFFF30]  }
0x5a: {  	v5 =	vcvt.f32.s32 v5;
	[tilespmem:s25+$0xFFFFFFA0] =	vst v1;
	v1 =	vld.idx.msk [tilespmem:v2+s4+$0x0], $0xffff  }
0x5b: {  	v7 =	vmul.f32 $2.550000000e+02, v7;
	v2 =	vtrunc.f32 v4;
	v4 =	vld [tilespmem:s26+$0xFFFFFFB0]  }
0x5c: {  	s28 =	simm.s32 $0xCC00;
	v5 =	vmin.u32 v5, $0xFF;
	v2 =	vcvt.f32.s32 v2  }
0x5d: {  	v3 =	vld.idx.msk [tilespmem:v3+s4+$0x0], $0xffff;
	[tilespmem:s28+$0x80] =	vst v0;
	v0 =	vtrunc.f32 v7  }
0x5e: {  	v2 =	vmin.u32 v2, $0xFF;
	v6 =	vmul.f32 $2.550000000e+02, v6;
	v7 =	vld [tilespmem:s29+$0x90];
	v0 =	vcvt.f32.s32 v0  }
0x5f: {  	[tilespmem:s25+$0xB0] =	vst v1  }
0x60: {  	v1 =	vmul.f32 $2.550000000e+02, v4;
	v4 =	vtrunc.f32 v6;
	v0 =	vmin.u32 v0, $0xFF;
	v6 =	vld [tilespmem:s26+$0xC0]  }
0x61: {  	v5 =	vld.idx.msk [tilespmem:v5+s4+$0x0], $0xffff;
	v4 =	vcvt.f32.s32 v4  }
0x62: {  	v1 =	vtrunc.f32 v1  }
0x63: {  	[tilespmem:s25+$0x20] =	vst v3;
	v2 =	vld.idx.msk [tilespmem:v2+s4+$0x0], $0xffff;
	v1 =	vcvt.f32.s32 v1;
	v4 =	vmin.u32 v4, $0xFF;
	v7 =	vmul.f32 $2.550000000e+02, v7  }
0x64: {  	v3 =	vld [tilespmem:s26+$0x30]  }
0x65: {  	v1 =	vmin.u32 v1, $0xFF;
	v7 =	vtrunc.f32 v7;
	v0 =	vld.idx.msk [tilespmem:v0+s4+$0x0], $0xffff;
	v6 =	vmul.f32 $2.550000000e+02, v6  }
0x66: {  	[tilespmem:s28+$0xFFFFFF00] =	vst v5;
	v5 =	vcvt.f32.s32 v7  }
0x67: {  	v7 =	vld [tilespmem:s29+$0xFFFFFF10];
	v6 =	vtrunc.f32 v6  }
0x68: {  	[tilespmem:s28+$0xFFFFFF80] =	vst v2;
	v2 =	vld.idx.msk [tilespmem:v4+s4+$0x0], $0xffff;
	v4 =	vmin.u32 v5, $0xFF;
	v5 =	vcvt.f32.s32 v6  }
0x69: {  	v3 =	vmul.f32 $2.550000000e+02, v3;
	v6 =	vld [tilespmem:s29+$0xFFFFFF90]  }
0x6a: {  	v1 =	vld.idx.msk [tilespmem:v1+s4+$0x0], $0xffff;
	[tilespmem:s28+$0x0] =	vst v0;
	v5 =	vmin.u32 v5, $0xFF  }
0x6b: {  	v0 =	vtrunc.f32 v3;
	v3 =	vld [tilespmem:s29+$0x10]  }
0x6c: {  	v7 =	vmul.f32 $2.550000000e+02, v7  }
0x6d: {  	v0 =	vcvt.f32.s32 v0;
	[tilespmem:s25+$0xFFFFFF30] =	vst v2;
	v2 =	vld.idx.msk [tilespmem:v4+s4+$0x0], $0xffff  }
0x6e: {  	v4 =	vmul.f32 $2.550000000e+02, v6;
	v6 =	vtrunc.f32 v7;
	v7 =	vld [tilespmem:s26+$0xFFFFFF40]  }
0x6f: {  	v0 =	vmin.u32 v0, $0xFF;
	v6 =	vcvt.f32.s32 v6;
	[tilespmem:s25+$0xFFFFFFB0] =	vst v1;
	v1 =	vld.idx.msk [tilespmem:v5+s4+$0x0], $0xffff  }
0x70: {  	v4 =	vtrunc.f32 v4;
	v5 =	vld [tilespmem:s26+$0xFFFFFFC0];
	v3 =	vmul.f32 $2.550000000e+02, v3  }
0x71: {  	v4 =	vcvt.f32.s32 v4;
	v6 =	vmin.u32 v6, $0xFF  }
0x72: {  	[tilespmem:s28+$0x90] =	vst v2;
	v2 =	vtrunc.f32 v3  }
0x73: {  	v3 =	vmin.u32 v4, $0xFF;
	v4 =	vmul.f32 $2.550000000e+02, v7;
	v7 =	vld [tilespmem:s29+$0xA0];
	v2 =	vcvt.f32.s32 v2  }
0x74: {  	v0 =	vld.idx.msk [tilespmem:v0+s4+$0x0], $0xffff;
	[tilespmem:s25+$0xC0] =	vst v1  }
0x75: {  	v1 =	vtrunc.f32 v4;
	v4 =	vmul.f32 $2.550000000e+02, v5;
	v2 =	vmin.u32 v2, $0xFF;
	v5 =	vld [tilespmem:s26+$0xD0]  }
0x76: {  	v6 =	vld.idx.msk [tilespmem:v6+s4+$0x0], $0xffff;
	v1 =	vcvt.f32.s32 v1  }
0x77: {  	v4 =	vtrunc.f32 v4  }
0x78: {  	s30 =	simm.s32 $0x600;
	v3 =	vld.idx.msk [tilespmem:v3+s4+$0x0], $0xffff;
	v1 =	vmin.u32 v1, $0xFF;
	v4 =	vcvt.f32.s32 v4;
	v7 =	vmul.f32 $2.550000000e+02, v7  }
0x79: {  	v10 =	vld [tilespmem:s30+$0xFFFFFF80]  }
0x7a: {  	[tilespmem:s25+$0x30] =	vst v0;
	v4 =	vmin.u32 v4, $0xFF;
	v7 =	vtrunc.f32 v7;
	v2 =	vld.idx.msk [tilespmem:v2+s4+$0x0], $0xffff  }
0x7b: {  	v0 =	vld [tilespmem:s26+$0x40];
	v5 =	vmul.f32 $2.550000000e+02, v5;
	[tilespmem:s28+$0xFFFFFF10] =	vst v6;
	v6 =	vcvt.f32.s32 v7  }
0x7c: {  	v7 =	vld [tilespmem:s29+$0xFFFFFF20]  }
0x7d: {  	v5 =	vtrunc.f32 v5;
	[tilespmem:s28+$0xFFFFFF90] =	vst v3;
	v1 =	vld.idx.msk [tilespmem:v1+s4+$0x0], $0xffff;
	v3 =	vmin.u32 v6, $0xFF  }
0x7e: {  	v5 =	vcvt.f32.s32 v5;
	v6 =	vld [tilespmem:s29+$0xFFFFFFA0]  }
0x7f: {  	v4 =	vld.idx.msk [tilespmem:v4+s4+$0x0], $0xffff;
	[tilespmem:s28+$0x10] =	vst v2  }
0x80: {  	v0 =	vmul.f32 $2.550000000e+02, v0;
	v5 =	vmin.u32 v5, $0xFF;
	v2 =	vld [tilespmem:s29+$0x20];
	_ =	sdelay $0x1  }
0x81: {  	v0 =	vtrunc.f32 v0;
	[tilespmem:s25+$0xFFFFFF40] =	vst v1;
	v1 =	vld.idx.msk [tilespmem:v3+s4+$0x0], $0xffff  }
0x82: {  	v0 =	vcvt.f32.s32 v0;
	v7 =	vmul.f32 $2.550000000e+02, v7  }
0x83: {  	v8 =	vld [tilespmem:s30+$0x80];
	v10 =	vmul.f32 $2.550000000e+02, v10;
	v6 =	vmul.f32 $2.550000000e+02, v6  }
0x84: {  	v0 =	vmin.u32 v0, $0xFF;
	v7 =	vtrunc.f32 v7;
	[tilespmem:s25+$0xFFFFFFC0] =	vst v4;
	v4 =	vld.idx.msk [tilespmem:v5+s4+$0x0], $0xffff;
	v2 =	vmul.f32 $2.550000000e+02, v2  }
0x85: {  	v5 =	vcvt.f32.s32 v7;
	v7 =	vld [tilespmem:s26+$0xFFFFFFD0];
	v6 =	vtrunc.f32 v6  }
0x86: {  	v3 =	vld [tilespmem:s26+$0xFFFFFF50];
	v6 =	vcvt.f32.s32 v6;
	[tilespmem:s28+$0xA0] =	vst v1;
	v2 =	vtrunc.f32 v2  }
0x87: {  	v1 =	vmin.u32 v5, $0xFF;
	v5 =	vld [tilespmem:s29+$0xB0];
	v2 =	vcvt.f32.s32 v2  }
0x88: {  	v9 =	vld [tilespmem:s30+$0xFFFFFF00];
	v10 =	vtrunc.f32 v10;
	v6 =	vmin.u32 v6, $0xFF  }
0x89: {  	v10 =	vcvt.f32.s32 v10;
	v0 =	vld.idx.msk [tilespmem:v0+s4+$0x0], $0xffff;
	[tilespmem:s25+$0xD0] =	vst v4;
	v2 =	vmin.u32 v2, $0xFF  }
0x8a: {  	v8 =	vmul.f32 $2.550000000e+02, v8;
	v4 =	vmul.f32 $2.550000000e+02, v7;
	v7 =	vld [tilespmem:s26+$0xE0]  }
0x8b: {  	v11 =	vld [tilespmem:s30+$0x0];
	v10 =	vmin.u32 v10, $0xFF;
	v3 =	vmul.f32 $2.550000000e+02, v3  }
0x8c: {  	v8 =	vtrunc.f32 v8;
	v1 =	vld.idx.msk [tilespmem:v1+s4+$0x0], $0xffff;
	v5 =	vmul.f32 $2.550000000e+02, v5  }
0x8d: {  	v8 =	vcvt.f32.s32 v8;
	v3 =	vtrunc.f32 v3;
	v6 =	vld.idx.msk [tilespmem:v6+s4+$0x0], $0xffff  }
0x8e: {  	[tilespmem:s25+$0x40] =	vst v0;
	v5 =	vtrunc.f32 v5;
	v0 =	vld.idx.msk [tilespmem:v2+s4+$0x0], $0xffff;
	v2 =	vmul.f32 $2.550000000e+02, v9  }
0x8f: {  	v8 =	vmin.u32 v8, $0xFF;
	v7 =	vmul.f32 $2.550000000e+02, v7;
	v5 =	vcvt.f32.s32 v5  }
0x90: {  	v10 =	vld.idx.msk [tilespmem:v10+s4+$0x0], $0xffff;
	v3 =	vcvt.f32.s32 v3;
	v2 =	vtrunc.f32 v2  }
0x91: {  	v9 =	vld [tilespmem:s26+$0x50];
	[tilespmem:s28+$0xFFFFFF20] =	vst v1;
	v7 =	vtrunc.f32 v7;
	v1 =	vmin.u32 v5, $0xFF;
	v2 =	vcvt.f32.s32 v2  }
0x92: {  	v3 =	vmin.u32 v3, $0xFF;
	[tilespmem:s28+$0xFFFFFFA0] =	vst v6;
	v5 =	vcvt.f32.s32 v7;
	v7 =	vld [tilespmem:s29+$0xFFFFFF30]  }
0x93: {  	v6 =	vmul.f32 $2.550000000e+02, v11;
	v11 =	vld [tilespmem:s29+$0xFFFFFFB0];
	[tilespmem:s28+$0x20] =	vst v0;
	v0 =	vmin.u32 v2, $0xFF  }
0x94: {  	v2 =	vld.idx.msk [tilespmem:v8+s4+$0x0], $0xffff;
	v5 =	vmin.u32 v5, $0xFF  }
0x95: {  	v6 =	vtrunc.f32 v6;
	v8 =	vld [tilespmem:s29+$0x30]  }
0x96: {  	v6 =	vcvt.f32.s32 v6;
	v1 =	vld.idx.msk [tilespmem:v1+s4+$0x0], $0xffff  }
0x97: {  	v4 =	vtrunc.f32 v4;
	v3 =	vld.idx.msk [tilespmem:v3+s4+$0x0], $0xffff  }
0x98: {  	s0 =	simm.s32 $0xCE00;
	v4 =	vcvt.f32.s32 v4;
	v6 =	vmin.u32 v6, $0xFF;
	v7 =	vmul.f32 $2.550000000e+02, v7;
	v0 =	vld.idx.msk [tilespmem:v0+s4+$0x0], $0xffff  }
0x99: {  	[tilespmem:s0+$0x80] =	vst v2;
	v5 =	vld.idx.msk [tilespmem:v5+s4+$0x0], $0xffff  }
0x9a: {  	[tilespmem:s0+$0xFFFFFF80] =	vst v10;
	v4 =	vmin.u32 v4, $0xFF;
	v2 =	vmul.f32 $2.550000000e+02, v11;
	v7 =	vtrunc.f32 v7;
	v11 =	vld [tilespmem:s30+$0x90]  }
0x9b: {  	v10 =	vld [tilespmem:s30+$0xFFFFFF90];
	v8 =	vmul.f32 $2.550000000e+02, v8;
	v7 =	vcvt.f32.s32 v7;
	[tilespmem:s28+$0xB0] =	vst v1  }
0x9c: {  	v2 =	vtrunc.f32 v2;
	v1 =	vmul.f32 $2.550000000e+02, v9;
	v9 =	vld [tilespmem:s29+$0xC0]  }
0x9d: {  	[tilespmem:s25+$0xFFFFFF50] =	vst v3;
	v2 =	vcvt.f32.s32 v2;
	v3 =	vld.idx.msk [tilespmem:v6+s4+$0x0], $0xffff;
	v6 =	vtrunc.f32 v8;
	v7 =	vmin.u32 v7, $0xFF  }
0x9e: {  	v8 =	vld [tilespmem:s26+$0xFFFFFF60];
	v6 =	vcvt.f32.s32 v6;
	[tilespmem:s0+$0xFFFFFF00] =	vst v0  }
0x9f: {  	v4 =	vld.idx.msk [tilespmem:v4+s4+$0x0], $0xffff;
	v1 =	vtrunc.f32 v1;
	v2 =	vmin.u32 v2, $0xFF;
	[tilespmem:s25+$0xE0] =	vst v5;
	v5 =	vmul.f32 $2.550000000e+02, v11  }
0xa0: {  	v1 =	vcvt.f32.s32 v1;
	v6 =	vmin.u32 v6, $0xFF;
	v11 =	vld [tilespmem:s30+$0xFFFFFF10]  }
0xa1: {  	v0 =	vld [tilespmem:s26+$0xF0];
	v5 =	vtrunc.f32 v5;
	v9 =	vmul.f32 $2.550000000e+02, v9  }
0xa2: {  	v1 =	vmin.u32 v1, $0xFF;
	[tilespmem:s0+$0x0] =	vst v3;
	v3 =	vld.idx.msk [tilespmem:v7+s4+$0x0], $0xffff;
	v5 =	vcvt.f32.s32 v5  }
0xa3: {  	v8 =	vmul.f32 $2.550000000e+02, v8;
	v7 =	vld [tilespmem:s30+$0x10];
	v9 =	vtrunc.f32 v9  }
0xa4: {  	v2 =	vld.idx.msk [tilespmem:v2+s4+$0x0], $0xffff;
	v5 =	vmin.u32 v5, $0xFF;
	v9 =	vcvt.f32.s32 v9  }
0xa5: {  	[tilespmem:s25+$0xFFFFFFD0] =	vst v4;
	v8 =	vtrunc.f32 v8;
	v4 =	vmul.f32 $2.550000000e+02, v11;
	v6 =	vld.idx.msk [tilespmem:v6+s4+$0x0], $0xffff  }
0xa6: {  	v10 =	vmul.f32 $2.550000000e+02, v10;
	v11 =	vld [tilespmem:s26+$0xFFFFFFE0];
	v8 =	vcvt.f32.s32 v8;
	v9 =	vmin.u32 v9, $0xFF  }
0xa7: {  	v0 =	vmul.f32 $2.550000000e+02, v0;
	v1 =	vld.idx.msk [tilespmem:v1+s4+$0x0], $0xffff;
	v4 =	vtrunc.f32 v4;
	[tilespmem:s28+$0xFFFFFF30] =	vst v3  }
0xa8: {  	v3 =	vmul.f32 $2.550000000e+02, v7;
	v4 =	vcvt.f32.s32 v4;
	v7 =	vld [tilespmem:s29+$0xFFFFFF40]  }
0xa9: {  	v10 =	vtrunc.f32 v10;
	v8 =	vmin.u32 v8, $0xFF;
	[tilespmem:s28+$0xFFFFFFB0] =	vst v2;
	v5 =	vld.idx.msk [tilespmem:v5+s4+$0x0], $0xffff  }
0xaa: {  	v0 =	vtrunc.f32 v0;
	v2 =	vcvt.f32.s32 v10;
	v4 =	vmin.u32 v4, $0xFF;
	v10 =	vld [tilespmem:s29+$0xFFFFFFC0]  }
0xab: {  	v3 =	vtrunc.f32 v3;
	[tilespmem:s28+$0x30] =	vst v6;
	v6 =	vld.idx.msk [tilespmem:v9+s4+$0x0], $0xffff;
	v9 =	vmul.f32 $2.550000000e+02, v11  }
0xac: {  	v0 =	vcvt.f32.s32 v0;
	[tilespmem:s25+$0x50] =	vst v1;
	v1 =	vmin.u32 v2, $0xFF;
	v2 =	vcvt.f32.s32 v3;
	v3 =	vld [tilespmem:s29+$0x40]  }
0xad: {  	v11 =	vld [tilespmem:s26+$0x60];
	v7 =	vmul.f32 $2.550000000e+02, v7;
	v9 =	vtrunc.f32 v9  }
0xae: {  	v0 =	vmin.u32 v0, $0xFF;
	v8 =	vld.idx.msk [tilespmem:v8+s4+$0x0], $0xffff;
	v9 =	vcvt.f32.s32 v9  }
0xaf: {  	v2 =	vmin.u32 v2, $0xFF;
	v4 =	vld.idx.msk [tilespmem:v4+s4+$0x0], $0xffff;
	[tilespmem:s0+$0x90] =	vst v5;
	v5 =	vtrunc.f32 v7;
	v7 =	vmul.f32 $2.550000000e+02, v10  }
0xb0: {  	v10 =	vld [tilespmem:s30+$0xA0];
	v5 =	vcvt.f32.s32 v5  }
0xb1: {  	v1 =	vld.idx.msk [tilespmem:v1+s4+$0x0], $0xffff;
	v3 =	vmul.f32 $2.550000000e+02, v3;
	v9 =	vmin.u32 v9, $0xFF;
	v7 =	vtrunc.f32 v7;
	[tilespmem:s28+$0xC0] =	vst v6  }
0xb2: {  	v6 =	vmul.f32 $2.550000000e+02, v11;
	v5 =	vmin.u32 v5, $0xFF;
	v7 =	vcvt.f32.s32 v7;
	v11 =	vld [tilespmem:s29+$0xD0]  }
0xb3: {  	v0 =	vld.idx.msk [tilespmem:v0+s4+$0x0], $0xffff;
	v3 =	vtrunc.f32 v3  }
0xb4: {  	v2 =	vld.idx.msk [tilespmem:v2+s4+$0x0], $0xffff;
	v3 =	vcvt.f32.s32 v3;
	[tilespmem:s0+$0xFFFFFF10] =	vst v4;
	v7 =	vmin.u32 v7, $0xFF  }
0xb5: {  	v6 =	vtrunc.f32 v6;
	v4 =	vmul.f32 $2.550000000e+02, v10;
	v10 =	vld [tilespmem:s30+$0xFFFFFF20]  }
0xb6: {  	v6 =	vcvt.f32.s32 v6;
	v3 =	vmin.u32 v3, $0xFF;
	v9 =	vld.idx.msk [tilespmem:v9+s4+$0x0], $0xffff  }
0xb7: {  	[tilespmem:s0+$0xFFFFFF90] =	vst v1;
	v1 =	vtrunc.f32 v4;
	v4 =	vld.idx.msk [tilespmem:v5+s4+$0x0], $0xffff;
	v5 =	vmul.f32 $2.550000000e+02, v11  }
0xb8: {  	v6 =	vmin.u32 v6, $0xFF;
	v11 =	vld [tilespmem:s30+$0xFFFFFFA0];
	v1 =	vcvt.f32.s32 v1  }
0xb9: {  	[tilespmem:s0+$0x10] =	vst v2;
	v2 =	vld.idx.msk [tilespmem:v7+s4+$0x0], $0xffff;
	v5 =	vtrunc.f32 v5  }
0xba: {  	v7 =	vld [tilespmem:s30+$0x20];
	v1 =	vmin.u32 v1, $0xFF;
	v5 =	vcvt.f32.s32 v5  }
0xbb: {  	[tilespmem:s25+$0xFFFFFF60] =	vst v8;
	v12 =	vld.idx.msk [tilespmem:v3+s4+$0x0], $0xffff  }
0xbc: {  	v3 =	vmul.f32 $2.550000000e+02, v10;
	v10 =	vld [tilespmem:s26+$0xFFFFFF70];
	v5 =	vmin.u32 v5, $0xFF  }
0xbd: {  	v13 =	vld.idx.msk [tilespmem:v6+s4+$0x0], $0xffff;
	[tilespmem:s28+$0xFFFFFF40] =	vst v4;
	v4 =	vmul.f32 $2.550000000e+02, v11  }
0xbe: {  	v3 =	vtrunc.f32 v3;
	v11 =	vld [tilespmem:s29+$0xFFFFFF50]  }
0xbf: {  	v6 =	vmul.f32 $2.550000000e+02, v7;
	v8 =	vld.idx.msk [tilespmem:v1+s4+$0x0], $0xffff;
	[tilespmem:s28+$0xFFFFFFC0] =	vst v2;
	v1 =	vtrunc.f32 v4  }
0xc0: {  	[tilespmem:s25+$0xF0] =	vst v0;
	v0 =	vcvt.f32.s32 v3;
	v3 =	vld [tilespmem:s29+$0xFFFFFFD0];
	v1 =	vcvt.f32.s32 v1  }
0xc1: {  	[tilespmem:s28+$0x40] =	vst v12;
	v4 =	vtrunc.f32 v6;
	v2 =	vld.idx.msk [tilespmem:v5+s4+$0x0], $0xffff  }
0xc2: {  	[tilespmem:s25+$0xFFFFFFE0] =	vst v9;
	v9 =	vcvt.f32.s32 v4;
	v4 =	vld [tilespmem:s29+$0x50];
	v7 =	vmin.u32 v1, $0xFF;
	v1 =	vmul.f32 $2.550000000e+02, v10  }
0xc3: {  	s2 =	simm.s32 $0x8;
	s1 =	simm.s32 $0x800;
	s31 =	simm.s32 $0xCE00;
	v6 =	vmin.u32 v0, $0xFF;
	[tilespmem:s25+$0x60] =	vst v13;
	v0 =	vld [tilespmem:s26+$0xFFFFFFF0];
	v5 =	vmul.f32 $2.550000000e+02, v11  }
.LBB2_3:
0xc4: {  	v10 =	vld [tilespmem:s1+$0x80];
	s2 =	sadd.s32 $0x4, s2;
	v9 =	vmin.u32 v9, $0xFF;
	v1 =	vtrunc.f32 v1  }
0xc5: {  	v11 =	vld [tilespmem:s1+$0xFFFFFF80];
	p1 =	slt.u32 s2, $0xC4;
	[tilespmem:s0+$0xA0] =	vst v8;
	v5 =	vtrunc.f32 v5;
	v3 =	vmul.f32 $2.550000000e+02, v3  }
0xc6: {  	v1 =	vcvt.f32.s32 v1;
	v8 =	vld [tilespmem:s30+$0xB0];
	v5 =	vcvt.f32.s32 v5  }
0xc7: {  	v12 =	vld [tilespmem:s1+$0x0];
	v3 =	vtrunc.f32 v3;
	v4 =	vmul.f32 $2.550000000e+02, v4;
	[tilespmem:s28+$0xD0] =	vst v2  }
0xc8: {  	v2 =	vmin.u32 v5, $0xFF;
	v3 =	vcvt.f32.s32 v3;
	v5 =	vld [tilespmem:s29+$0xE0];
	v0 =	vmul.f32 $2.550000000e+02, v0  }
0xc9: {  	v1 =	vmin.u32 v1, $0xFF;
	v13 =	vld [tilespmem:s1+$0xFFFFFF00];
	v10 =	vmul.f32 $2.550000000e+02, v10;
	v4 =	vtrunc.f32 v4  }
0xca: {  	v11 =	vmul.f32 $2.550000000e+02, v11;
	v6 =	vld.idx.msk [tilespmem:v6+s4+$0x0], $0xffff;
	v3 =	vmin.u32 v3, $0xFF;
	v4 =	vcvt.f32.s32 v4  }
0xcb: {  	v10 =	vtrunc.f32 v10;
	v7 =	vld.idx.msk [tilespmem:v7+s4+$0x0], $0xffff;
	v8 =	vmul.f32 $2.550000000e+02, v8  }
0xcc: {  	v12 =	vmul.f32 $2.550000000e+02, v12;
	v10 =	vcvt.f32.s32 v10;
	v9 =	vld.idx.msk [tilespmem:v9+s4+$0x0], $0xffff;
	v4 =	vmin.u32 v4, $0xFF  }
0xcd: {  	v8 =	vtrunc.f32 v8;
	v2 =	vld.idx.msk [tilespmem:v2+s4+$0x0], $0xffff;
	v5 =	vmul.f32 $2.550000000e+02, v5  }
0xce: {  	v13 =	vmul.f32 $2.550000000e+02, v13;
	v10 =	vmin.u32 v10, $0xFF;
	v8 =	vcvt.f32.s32 v8;
	v14 =	vld [tilespmem:s26+$0x70];
	s26 =	smov.u32 s29;
	s29 =	smov.u32 s30;
	s30 =	smov.u32 s1  }
0xcf: {  	v11 =	vtrunc.f32 v11;
	v3 =	vld.idx.msk [tilespmem:v3+s4+$0x0], $0xffff;
	v5 =	vtrunc.f32 v5  }
0xd0: {  	v13 =	vtrunc.f32 v13;
	[tilespmem:s0+$0xFFFFFF20] =	vst v6;
	v6 =	vmin.u32 v8, $0xFF;
	v5 =	vcvt.f32.s32 v5;
	v1 =	vld.idx.msk [tilespmem:v1+s4+$0x0], $0xffff  }
0xd1: {  	v12 =	vtrunc.f32 v12;
	v8 =	vcvt.f32.s32 v13;
	v13 =	vld [tilespmem:s29+$0xFFFFFF30];
	[tilespmem:s0+$0xFFFFFFA0] =	vst v7  }
0xd2: {  	v7 =	vcvt.f32.s32 v11;
	v11 =	vcvt.f32.s32 v12;
	v12 =	vld [tilespmem:s29+$0xFFFFFFB0];
	[tilespmem:s0+$0x20] =	vst v9;
	v5 =	vmin.u32 v5, $0xFF  }
0xd3: {  	v0 =	vtrunc.f32 v0;
	v8 =	vmin.u32 v8, $0xFF;
	v9 =	vld.idx.msk [tilespmem:v10+s4+$0x0], $0xffff;
	[tilespmem:s28+$0xFFFFFF50] =	vst v2;
	v2 =	vmul.f32 $2.550000000e+02, v14  }
0xd4: {  	v0 =	vcvt.f32.s32 v0;
	v7 =	vmin.u32 v7, $0xFF;
	v10 =	vmin.u32 v11, $0xFF;
	v11 =	vld [tilespmem:s29+$0x30]  }
0xd5: {  	v6 =	vld.idx.msk [tilespmem:v6+s4+$0x0], $0xffff;
	[tilespmem:s28+$0xFFFFFFD0] =	vst v3;
	v2 =	vtrunc.f32 v2  }
0xd6: {  	v0 =	vmin.u32 v0, $0xFF;
	v3 =	vmul.f32 $2.550000000e+02, v13;
	v4 =	vld.idx.msk [tilespmem:v4+s4+$0x0], $0xffff;
	[tilespmem:s25+$0xFFFFFF70] =	vst v1;
	v1 =	vcvt.f32.s32 v2  }
0xd7: {  	v2 =	vmul.f32 $2.550000000e+02, v12;
	v5 =	vld.idx.msk [tilespmem:v5+s4+$0x0], $0xffff  }
0xd8: {  	s0 =	sadd.s32 $0x200, s0;
	v8 =	vld.idx.msk [tilespmem:v8+s4+$0x0], $0xffff;
	v3 =	vtrunc.f32 v3;
	v1 =	vmin.u32 v1, $0xFF  }
0xd9: {  	v7 =	vld.idx.msk [tilespmem:v7+s4+$0x0], $0xffff;
	[tilespmem:s0+$0x80] =	vst v9;
	v2 =	vtrunc.f32 v2;
	v9 =	vmul.f32 $2.550000000e+02, v11  }
0xda: {  	v3 =	vcvt.f32.s32 v3;
	v11 =	vld [tilespmem:s1+$0x90];
	v2 =	vcvt.f32.s32 v2  }
0xdb: {  	v10 =	vld.idx.msk [tilespmem:v10+s4+$0x0], $0xffff;
	v9 =	vtrunc.f32 v9;
	[tilespmem:s31+$0xB0] =	vst v6  }
0xdc: {  	v3 =	vmin.u32 v3, $0xFF;
	v2 =	vmin.u32 v2, $0xFF;
	v6 =	vcvt.f32.s32 v9;
	v9 =	vld [tilespmem:s29+$0xC0];
	[tilespmem:s28+$0x50] =	vst v4  }
0xdd: {  	v4 =	vld [tilespmem:s26+$0xFFFFFF60];
	[tilespmem:s28+$0xE0] =	vst v5  }
0xde: {  	[tilespmem:s0+$0xFFFFFF00] =	vst v8;
	v5 =	vmin.u32 v6, $0xFF;
	v6 =	vld [tilespmem:s26+$0xF0]  }
0xdf: {  	v8 =	vld [tilespmem:s1+$0xFFFFFF10];
	[tilespmem:s0+$0xFFFFFF80] =	vst v7;
	v7 =	vmul.f32 $2.550000000e+02, v11  }
0xe0: {  	v11 =	vld [tilespmem:s1+$0xFFFFFF90]  }
0xe1: {  	[tilespmem:s0+$0x0] =	vst v10;
	v7 =	vtrunc.f32 v7;
	v3 =	vld.idx.msk [tilespmem:v3+s4+$0x0], $0xffff;
	v9 =	vmul.f32 $2.550000000e+02, v9  }
0xe2: {  	v10 =	vld [tilespmem:s1+$0x10];
	v7 =	vcvt.f32.s32 v7;
	v4 =	vmul.f32 $2.550000000e+02, v4  }
0xe3: {  	v2 =	vld.idx.msk [tilespmem:v2+s4+$0x0], $0xffff;
	v9 =	vtrunc.f32 v9;
	v6 =	vmul.f32 $2.550000000e+02, v6  }
0xe4: {  	v8 =	vmul.f32 $2.550000000e+02, v8;
	v7 =	vmin.u32 v7, $0xFF;
	v5 =	vld.idx.msk [tilespmem:v5+s4+$0x0], $0xffff;
	v9 =	vcvt.f32.s32 v9  }
0xe5: {  	v11 =	vmul.f32 $2.550000000e+02, v11;
	v12 =	vld [tilespmem:s26+$0xFFFFFFE0];
	v6 =	vtrunc.f32 v6  }
0xe6: {  	v8 =	vtrunc.f32 v8;
	v9 =	vmin.u32 v9, $0xFF;
	v13 =	vld [tilespmem:s26+$0x60];
	v6 =	vcvt.f32.s32 v6  }
0xe7: {  	v11 =	vtrunc.f32 v11;
	v10 =	vmul.f32 $2.550000000e+02, v10;
	[tilespmem:s31+$0xFFFFFF30] =	vst v3;
	v0 =	vld.idx.msk [tilespmem:v0+s4+$0x0], $0xffff  }
0xe8: {  	v3 =	vcvt.f32.s32 v8;
	v8 =	vcvt.f32.s32 v11;
	v11 =	vld [tilespmem:s29+$0xFFFFFF40];
	v6 =	vmin.u32 v6, $0xFF  }
0xe9: {  	v10 =	vtrunc.f32 v10;
	v7 =	vld.idx.msk [tilespmem:v7+s4+$0x0], $0xffff;
	[tilespmem:s31+$0xFFFFFFB0] =	vst v2;
	v2 =	vtrunc.f32 v4  }
0xea: {  	v3 =	vmin.u32 v3, $0xFF;
	v4 =	vmin.u32 v8, $0xFF;
	v8 =	vcvt.f32.s32 v10;
	v10 =	vld [tilespmem:s29+$0xFFFFFFC0];
	[tilespmem:s31+$0x30] =	vst v5  }
0xeb: {  	v5 =	vld.idx.msk [tilespmem:v9+s4+$0x0], $0xffff;
	v9 =	vmul.f32 $2.550000000e+02, v12;
	v12 =	vmul.f32 $2.550000000e+02, v13  }
0xec: {  	v2 =	vcvt.f32.s32 v2;
	v8 =	vmin.u32 v8, $0xFF;
	v13 =	vld [tilespmem:s29+$0x40]  }
0xed: {  	v11 =	vmul.f32 $2.550000000e+02, v11;
	v9 =	vtrunc.f32 v9;
	v6 =	vld.idx.msk [tilespmem:v6+s4+$0x0], $0xffff;
	[tilespmem:s25+$0xFFFFFFF0] =	vst v0  }
0xee: {  	v0 =	vmin.u32 v2, $0xFF;
	v2 =	vcvt.f32.s32 v9;
	v9 =	vtrunc.f32 v12;
	v1 =	vld.idx.msk [tilespmem:v1+s4+$0x0], $0xffff  }
0xef: {  	v3 =	vld.idx.msk [tilespmem:v3+s4+$0x0], $0xffff;
	[tilespmem:s0+$0x90] =	vst v7;
	v7 =	vtrunc.f32 v11;
	v10 =	vmul.f32 $2.550000000e+02, v10  }
0xf0: {  	v9 =	vcvt.f32.s32 v9;
	v11 =	vld [tilespmem:s1+$0xA0];
	v7 =	vcvt.f32.s32 v7;
	v2 =	vmin.u32 v2, $0xFF  }
0xf1: {  	v4 =	vld.idx.msk [tilespmem:v4+s4+$0x0], $0xffff;
	v10 =	vtrunc.f32 v10;
	v12 =	vmul.f32 $2.550000000e+02, v13;
	[tilespmem:s31+$0xC0] =	vst v5  }
0xf2: {  	v9 =	vmin.u32 v9, $0xFF;
	v5 =	vmin.u32 v7, $0xFF;
	v7 =	vcvt.f32.s32 v10;
	v10 =	vld [tilespmem:s29+$0xD0]  }
0xf3: {  	v8 =	vld.idx.msk [tilespmem:v8+s4+$0x0], $0xffff;
	v12 =	vtrunc.f32 v12;
	[tilespmem:s28+$0xF0] =	vst v6  }
0xf4: {  	v6 =	vmin.u32 v7, $0xFF;
	v7 =	vcvt.f32.s32 v12;
	v0 =	vld.idx.msk [tilespmem:v0+s4+$0x0], $0xffff;
	[tilespmem:s25+$0x70] =	vst v1;
	s25 =	smov.u32 s28;
	s28 =	smov.u32 s31;
	s31 =	smov.u32 s0  }
0xf5: {  	[tilespmem:s0+$0xFFFFFF10] =	vst v3;
	v1 =	vmul.f32 $2.550000000e+02, v11;
	v2 =	vld.idx.msk [tilespmem:v2+s4+$0x0], $0xffff  }
0xf6: {  	v3 =	vld [tilespmem:s1+$0xFFFFFF20];
	v7 =	vmin.u32 v7, $0xFF  }
0xf7: {  	[tilespmem:s0+$0xFFFFFF90] =	vst v4;
	v1 =	vtrunc.f32 v1;
	v4 =	vld.idx.msk [tilespmem:v5+s4+$0x0], $0xffff;
	v5 =	vmul.f32 $2.550000000e+02, v10  }
0xf8: {  	v10 =	vld [tilespmem:s1+$0xFFFFFFA0];
	v1 =	vcvt.f32.s32 v1  }
0xf9: {  	[tilespmem:s0+$0x10] =	vst v8;
	v6 =	vld.idx.msk [tilespmem:v6+s4+$0x0], $0xffff;
	v5 =	vtrunc.f32 v5  }
0xfa: {  	v8 =	vld [tilespmem:s1+$0x20];
	v1 =	vmin.u32 v1, $0xFF;
	v5 =	vcvt.f32.s32 v5;
	[tilespmem:s25+$0xFFFFFF60] =	vst v0  }
0xfb: {  	v0 =	vmul.f32 $2.550000000e+02, v3;
	v7 =	vld.idx.msk [tilespmem:v7+s4+$0x0], $0xffff;
	[tilespmem:s25+$0xFFFFFFE0] =	vst v2  }
0xfc: {  	v2 =	vmin.u32 v5, $0xFF;
	v5 =	vld.idx.msk [tilespmem:v9+s4+$0x0], $0xffff  }
0xfd: {  	v0 =	vtrunc.f32 v0;
	v3 =	vmul.f32 $2.550000000e+02, v10;
	[tilespmem:s28+$0xFFFFFF40] =	vst v4;
	v10 =	vld [tilespmem:s26+$0xFFFFFF70]  }
0xfe: {  	v0 =	vcvt.f32.s32 v0;
	v11 =	vld [tilespmem:s29+$0xFFFFFF50]  }
.Ltmp2:
0xff: {  	v3 =	vtrunc.f32 v3;
	v4 =	vmul.f32 $2.550000000e+02, v8;
	v8 =	vld.idx.msk [tilespmem:v1+s4+$0x0], $0xffff;
	[tilespmem:s28+$0xFFFFFFC0] =	vst v6;
	(pc) =	sbr.rel @p1 .LBB2_3-.Ltmp2, $4  }
0x100: {  	v6 =	vmin.u32 v0, $0xFF;
	v0 =	vcvt.f32.s32 v3;
	v3 =	vld [tilespmem:s29+$0xFFFFFFD0]  }
0x101: {  	v1 =	vtrunc.f32 v4;
	[tilespmem:s28+$0x40] =	vst v7;
	v2 =	vld.idx.msk [tilespmem:v2+s4+$0x0], $0xffff  }
0x102: {  	v7 =	vmin.u32 v0, $0xFF;
	v9 =	vcvt.f32.s32 v1;
	v4 =	vld [tilespmem:s29+$0x50];
	v1 =	vmul.f32 $2.550000000e+02, v10;
	[tilespmem:s25+$0x60] =	vst v5  }
0x103: {  	s1 =	sadd.s32 $0x200, s1;
	v5 =	vmul.f32 $2.550000000e+02, v11;
	v0 =	vld [tilespmem:s26+$0xFFFFFFF0]  }
0x104: {  	_ =	sdelay $0x2  }
0x105: {  	v9 =	vmin.u32 v9, $0xFF  }
0x106: {  	v6 =	vld.idx.msk [tilespmem:v6+s4+$0x0], $0xffff  }
0x107: {  	v7 =	vld.idx.msk [tilespmem:v7+s4+$0x0], $0xffff  }
0x108: {  	[tilespmem:s0+$0xA0] =	vst v8  }
0x109: {  	v8 =	vld [tilespmem:s30+$0xB0]  }
0x10a: {  	v9 =	vld.idx.msk [tilespmem:v9+s4+$0x0], $0xffff  }
0x10b: {  	[tilespmem:s0+$0xFFFFFF20] =	vst v6  }
0x10c: {  	[tilespmem:s0+$0xFFFFFFA0] =	vst v7;
	v6 =	vld [tilespmem:s30+$0xFFFFFF30]  }
0x10d: {  	v7 =	vld [tilespmem:s30+$0xFFFFFFB0]  }
0x10e: {  	v8 =	vmul.f32 $2.550000000e+02, v8  }
0x10f: {  	[tilespmem:s0+$0x20] =	vst v9  }
0x110: {  	v8 =	vtrunc.f32 v8;
	v9 =	vld [tilespmem:s30+$0x30]  }
0x111: {  	v8 =	vcvt.f32.s32 v8;
	v6 =	vmul.f32 $2.550000000e+02, v6  }
0x112: {  	v7 =	vmul.f32 $2.550000000e+02, v7  }
0x113: {  	v8 =	vmin.u32 v8, $0xFF;
	v6 =	vtrunc.f32 v6  }
0x114: {  	v7 =	vtrunc.f32 v7;
	v6 =	vcvt.f32.s32 v6  }
0x115: {  	v7 =	vcvt.f32.s32 v7;
	v9 =	vmul.f32 $2.550000000e+02, v9  }
0x116: {  	v6 =	vmin.u32 v6, $0xFF  }
0x117: {  	v7 =	vmin.u32 v7, $0xFF;
	v9 =	vtrunc.f32 v9  }
0x118: {  	v8 =	vld.idx.msk [tilespmem:v8+s4+$0x0], $0xffff;
	v9 =	vcvt.f32.s32 v9;
	_ =	sdelay $0x1  }
0x119: {  	v9 =	vmin.u32 v9, $0xFF  }
0x11a: {  	v6 =	vld.idx.msk [tilespmem:v6+s4+$0x0], $0xffff  }
0x11b: {  	v7 =	vld.idx.msk [tilespmem:v7+s4+$0x0], $0xffff  }
0x11c: {  	[tilespmem:s31+$0xB0] =	vst v8  }
0x11d: {  	v8 =	vld [tilespmem:s30+$0xC0]  }
0x11e: {  	v9 =	vld.idx.msk [tilespmem:v9+s4+$0x0], $0xffff  }
0x11f: {  	[tilespmem:s31+$0xFFFFFF30] =	vst v6  }
0x120: {  	[tilespmem:s31+$0xFFFFFFB0] =	vst v7;
	v6 =	vld [tilespmem:s30+$0xFFFFFF40]  }
0x121: {  	v7 =	vld [tilespmem:s30+$0xFFFFFFC0]  }
0x122: {  	v8 =	vmul.f32 $2.550000000e+02, v8  }
0x123: {  	[tilespmem:s31+$0x30] =	vst v9  }
0x124: {  	v8 =	vtrunc.f32 v8;
	v9 =	vld [tilespmem:s30+$0x40]  }
0x125: {  	v8 =	vcvt.f32.s32 v8;
	v6 =	vmul.f32 $2.550000000e+02, v6  }
0x126: {  	v7 =	vmul.f32 $2.550000000e+02, v7  }
0x127: {  	v8 =	vmin.u32 v8, $0xFF;
	v6 =	vtrunc.f32 v6  }
0x128: {  	v7 =	vtrunc.f32 v7;
	v6 =	vcvt.f32.s32 v6  }
0x129: {  	v7 =	vcvt.f32.s32 v7;
	v9 =	vmul.f32 $2.550000000e+02, v9  }
0x12a: {  	v6 =	vmin.u32 v6, $0xFF  }
0x12b: {  	v7 =	vmin.u32 v7, $0xFF;
	v9 =	vtrunc.f32 v9  }
0x12c: {  	v8 =	vld.idx.msk [tilespmem:v8+s4+$0x0], $0xffff;
	v9 =	vcvt.f32.s32 v9;
	_ =	sdelay $0x1  }
0x12d: {  	v3 =	vmul.f32 $2.550000000e+02, v3;
	v9 =	vmin.u32 v9, $0xFF  }
0x12e: {  	v5 =	vtrunc.f32 v5;
	v6 =	vld.idx.msk [tilespmem:v6+s4+$0x0], $0xffff  }
0x12f: {  	v5 =	vcvt.f32.s32 v5;
	v3 =	vtrunc.f32 v3;
	v7 =	vld.idx.msk [tilespmem:v7+s4+$0x0], $0xffff  }
0x130: {  	v4 =	vmul.f32 $2.550000000e+02, v4;
	v3 =	vcvt.f32.s32 v3;
	[tilespmem:s31+$0xC0] =	vst v8  }
0x131: {  	v5 =	vmin.u32 v5, $0xFF;
	v8 =	vld [tilespmem:s30+$0xD0]  }
0x132: {  	v4 =	vtrunc.f32 v4;
	v3 =	vmin.u32 v3, $0xFF;
	v9 =	vld.idx.msk [tilespmem:v9+s4+$0x0], $0xffff  }
0x133: {  	v4 =	vcvt.f32.s32 v4;
	[tilespmem:s31+$0xFFFFFF40] =	vst v6  }
0x134: {  	[tilespmem:s31+$0xFFFFFFC0] =	vst v7;
	v6 =	vld [tilespmem:s30+$0xFFFFFF50]  }
0x135: {  	v4 =	vmin.u32 v4, $0xFF;
	v7 =	vld [tilespmem:s30+$0xFFFFFFD0]  }
0x136: {  	v5 =	vld.idx.msk [tilespmem:v5+s4+$0x0], $0xffff;
	v8 =	vmul.f32 $2.550000000e+02, v8  }
0x137: {  	v3 =	vld.idx.msk [tilespmem:v3+s4+$0x0], $0xffff;
	[tilespmem:s31+$0x40] =	vst v9  }
0x138: {  	v8 =	vtrunc.f32 v8;
	v9 =	vld [tilespmem:s30+$0x50]  }
0x139: {  	v8 =	vcvt.f32.s32 v8  }
0x13a: {  	v4 =	vld.idx.msk [tilespmem:v4+s4+$0x0], $0xffff;
	v6 =	vmul.f32 $2.550000000e+02, v6;
	v7 =	vmul.f32 $2.550000000e+02, v7  }
0x13b: {  	[tilespmem:s28+$0xD0] =	vst v2;
	v2 =	vmin.u32 v8, $0xFF  }
0x13c: {  	[tilespmem:s28+$0xFFFFFF50] =	vst v5;
	v6 =	vtrunc.f32 v6;
	v7 =	vtrunc.f32 v7  }
0x13d: {  	[tilespmem:s28+$0xFFFFFFD0] =	vst v3;
	v3 =	vld [tilespmem:s29+$0xFFFFFF60];
	v6 =	vcvt.f32.s32 v6;
	v9 =	vmul.f32 $2.550000000e+02, v9  }
0x13e: {  	v8 =	vld [tilespmem:s29+$0xE0];
	v5 =	vcvt.f32.s32 v7  }
0x13f: {  	[tilespmem:s28+$0x50] =	vst v4;
	v4 =	vld [tilespmem:s29+$0xFFFFFFE0];
	v6 =	vmin.u32 v6, $0xFF;
	v7 =	vtrunc.f32 v9  }
0x140: {  	v5 =	vmin.u32 v5, $0xFF;
	v2 =	vld.idx.msk [tilespmem:v2+s4+$0x0], $0xffff;
	v7 =	vcvt.f32.s32 v7;
	_ =	sdelay $0x1  }
0x141: {  	v7 =	vmin.u32 v7, $0xFF  }
0x142: {  	v3 =	vmul.f32 $2.550000000e+02, v3;
	v8 =	vmul.f32 $2.550000000e+02, v8;
	v9 =	vld [tilespmem:s29+$0x60]  }
0x143: {  	v4 =	vmul.f32 $2.550000000e+02, v4;
	v6 =	vld.idx.msk [tilespmem:v6+s4+$0x0], $0xffff  }
0x144: {  	v3 =	vtrunc.f32 v3;
	v8 =	vtrunc.f32 v8;
	v5 =	vld.idx.msk [tilespmem:v5+s4+$0x0], $0xffff;
	[tilespmem:s31+$0xD0] =	vst v2  }
0x145: {  	v2 =	vcvt.f32.s32 v3;
	v3 =	vtrunc.f32 v4;
	v4 =	vld [tilespmem:s30+$0xE0]  }
0x146: {  	v8 =	vcvt.f32.s32 v8;
	v7 =	vld.idx.msk [tilespmem:v7+s4+$0x0], $0xffff;
	_ =	sdelay $0x1  }
0x147: {  	v8 =	vmin.u32 v8, $0xFF;
	v3 =	vcvt.f32.s32 v3;
	v9 =	vmul.f32 $2.550000000e+02, v9  }
0x148: {  	v2 =	vmin.u32 v2, $0xFF;
	[tilespmem:s31+$0xFFFFFF50] =	vst v6  }
0x149: {  	v3 =	vmin.u32 v3, $0xFF;
	v6 =	vtrunc.f32 v9;
	[tilespmem:s31+$0xFFFFFFD0] =	vst v5;
	v5 =	vld [tilespmem:s30+$0xFFFFFF60]  }
0x14a: {  	v6 =	vcvt.f32.s32 v6;
	v4 =	vmul.f32 $2.550000000e+02, v4;
	[tilespmem:s31+$0x50] =	vst v7;
	v7 =	vld [tilespmem:s30+$0xFFFFFFE0]  }
0x14b: {  	v9 =	vld [tilespmem:s30+$0x60]  }
0x14c: {  	v8 =	vld.idx.msk [tilespmem:v8+s4+$0x0], $0xffff;
	v6 =	vmin.u32 v6, $0xFF;
	v4 =	vtrunc.f32 v4  }
0x14d: {  	v2 =	vld.idx.msk [tilespmem:v2+s4+$0x0], $0xffff;
	v4 =	vcvt.f32.s32 v4  }
0x14e: {  	v3 =	vld.idx.msk [tilespmem:v3+s4+$0x0], $0xffff;
	v5 =	vmul.f32 $2.550000000e+02, v5  }
0x14f: {  	v4 =	vmin.u32 v4, $0xFF;
	v7 =	vmul.f32 $2.550000000e+02, v7  }
0x150: {  	v5 =	vtrunc.f32 v5;
	v9 =	vmul.f32 $2.550000000e+02, v9  }
0x151: {  	[tilespmem:s28+$0xE0] =	vst v8;
	v6 =	vld.idx.msk [tilespmem:v6+s4+$0x0], $0xffff;
	v5 =	vcvt.f32.s32 v5;
	v7 =	vtrunc.f32 v7  }
0x152: {  	v10 =	vld [tilespmem:s26+$0x70];
	[tilespmem:s28+$0xFFFFFF60] =	vst v2;
	v7 =	vcvt.f32.s32 v7;
	v8 =	vtrunc.f32 v9  }
0x153: {  	[tilespmem:s28+$0xFFFFFFE0] =	vst v3;
	v3 =	vld [tilespmem:s29+$0xFFFFFF70];
	v2 =	vmin.u32 v5, $0xFF;
	v5 =	vcvt.f32.s32 v8  }
0x154: {  	v4 =	vld.idx.msk [tilespmem:v4+s4+$0x0], $0xffff;
	v7 =	vmin.u32 v7, $0xFF  }
0x155: {  	v9 =	vld [tilespmem:s29+$0xF0];
	v5 =	vmin.u32 v5, $0xFF  }
0x156: {  	[tilespmem:s28+$0x60] =	vst v6;
	v8 =	vld [tilespmem:s29+$0xFFFFFFF0]  }
0x157: {  	v6 =	vld [tilespmem:s29+$0x70]  }
0x158: {  	v0 =	vmul.f32 $2.550000000e+02, v0;
	v2 =	vld.idx.msk [tilespmem:v2+s4+$0x0], $0xffff  }
0x159: {  	v1 =	vtrunc.f32 v1;
	v10 =	vmul.f32 $2.550000000e+02, v10;
	v7 =	vld.idx.msk [tilespmem:v7+s4+$0x0], $0xffff  }
0x15a: {  	v1 =	vcvt.f32.s32 v1;
	v0 =	vtrunc.f32 v0;
	v5 =	vld.idx.msk [tilespmem:v5+s4+$0x0], $0xffff  }
0x15b: {  	v10 =	vtrunc.f32 v10;
	v3 =	vmul.f32 $2.550000000e+02, v3;
	[tilespmem:s31+$0xE0] =	vst v4  }
0x15c: {  	v0 =	vcvt.f32.s32 v0;
	v4 =	vcvt.f32.s32 v10;
	v10 =	vld [tilespmem:s30+$0xF0]  }
0x15d: {  	v3 =	vtrunc.f32 v3;
	v9 =	vmul.f32 $2.550000000e+02, v9;
	[tilespmem:s31+$0xFFFFFF60] =	vst v2  }
0x15e: {  	v3 =	vcvt.f32.s32 v3;
	v8 =	vmul.f32 $2.550000000e+02, v8;
	[tilespmem:s31+$0xFFFFFFE0] =	vst v7;
	v7 =	vld [tilespmem:s30+$0xFFFFFF70]  }
0x15f: {  	v6 =	vmul.f32 $2.550000000e+02, v6;
	v9 =	vtrunc.f32 v9;
	[tilespmem:s31+$0x60] =	vst v5;
	v5 =	vld [tilespmem:s30+$0xFFFFFFF0]  }
0x160: {  	v1 =	vmin.u32 v1, $0xFF;
	v2 =	vcvt.f32.s32 v9;
	v8 =	vtrunc.f32 v8;
	v9 =	vld [tilespmem:s30+$0x70]  }
0x161: {  	v0 =	vmin.u32 v0, $0xFF;
	v6 =	vtrunc.f32 v6;
	v10 =	vmul.f32 $2.550000000e+02, v10  }
0x162: {  	v8 =	vcvt.f32.s32 v8;
	v6 =	vcvt.f32.s32 v6;
	v2 =	vmin.u32 v2, $0xFF  }
0x163: {  	v4 =	vmin.u32 v4, $0xFF;
	v10 =	vtrunc.f32 v10;
	v7 =	vmul.f32 $2.550000000e+02, v7  }
0x164: {  	v3 =	vmin.u32 v3, $0xFF;
	v10 =	vcvt.f32.s32 v10;
	v5 =	vmul.f32 $2.550000000e+02, v5  }
0x165: {  	v1 =	vld.idx.msk [tilespmem:v1+s4+$0x0], $0xffff;
	v8 =	vmin.u32 v8, $0xFF;
	v7 =	vtrunc.f32 v7;
	v9 =	vmul.f32 $2.550000000e+02, v9  }
0x166: {  	v0 =	vld.idx.msk [tilespmem:v0+s4+$0x0], $0xffff;
	v10 =	vmin.u32 v10, $0xFF;
	v7 =	vcvt.f32.s32 v7;
	v5 =	vtrunc.f32 v5  }
0x167: {  	v6 =	vmin.u32 v6, $0xFF;
	v2 =	vld.idx.msk [tilespmem:v2+s4+$0x0], $0xffff;
	v5 =	vcvt.f32.s32 v5;
	v9 =	vtrunc.f32 v9  }
0x168: {  	v4 =	vld.idx.msk [tilespmem:v4+s4+$0x0], $0xffff;
	v7 =	vmin.u32 v7, $0xFF;
	v9 =	vcvt.f32.s32 v9  }
0x169: {  	v3 =	vld.idx.msk [tilespmem:v3+s4+$0x0], $0xffff;
	v5 =	vmin.u32 v5, $0xFF  }
0x16a: {  	[tilespmem:s25+$0xFFFFFF70] =	vst v1;
	v1 =	vld.idx.msk [tilespmem:v8+s4+$0x0], $0xffff;
	v8 =	vmin.u32 v9, $0xFF  }
0x16b: {  	[tilespmem:s25+$0xFFFFFFF0] =	vst v0;
	v0 =	vld.idx.msk [tilespmem:v10+s4+$0x0], $0xffff  }
0x16c: {  	[tilespmem:s28+$0xF0] =	vst v2;
	v2 =	vld.idx.msk [tilespmem:v6+s4+$0x0], $0xffff  }
0x16d: {  	[tilespmem:s25+$0x70] =	vst v4;
	v4 =	vld.idx.msk [tilespmem:v7+s4+$0x0], $0xffff  }
0x16e: {  	[tilespmem:s28+$0xFFFFFF70] =	vst v3;
	v3 =	vld.idx.msk [tilespmem:v5+s4+$0x0], $0xffff  }
0x16f: {  	[tilespmem:s28+$0xFFFFFFF0] =	vst v1;
	v1 =	vld.idx.msk [tilespmem:v8+s4+$0x0], $0xffff  }
0x170: {  	[tilespmem:s31+$0xF0] =	vst v0  }
0x171: {  	[tilespmem:s28+$0x70] =	vst v2  }
0x172: {  	[tilespmem:s31+$0xFFFFFF70] =	vst v4  }
0x173: {  	[tilespmem:s31+$0xFFFFFFF0] =	vst v3  }
0x174: {  	[tilespmem:s31+$0x70] =	vst v1;
	s31 =	sadd.s32 s24, s7  }
0x175: {  	[hbm4b:s31+s12] =	stream.strided.scatter [tilespmem:s18], [sflag:$0x3], $0x6400, s13, s12, $0x38;
	[tilespmem:$0x19100] =	vst v63  }
0x176: {  	s1 =	simm.s32 @p0 $0x20000;
	s2 =	simm.s32 @p0 $0x100;
	s0 =	simm.s32 @p0 $0x400  }
0x177: {  	[tilespmem:s2], [sflag:$0x1] =	stream.strided.gather @p0 [hbm4b:s9+s0], $0x6400, s1, s0, $0x38;
	[tilespmem:$0x19100] =	vst v63  }
0x178: {  	_ =	swait.ge [sflag:s19], $0x6400  }
0x179: {  	[sflag:s19] =	ssyncset.done $0x0  }
0x17a: {  	s0 =	simm.s32 @!p0 $0x4;
	[sflag:s19] =	ssyncadd.s32 $0xFFFF9C00  }
0x17b: {  	_ =	swait.ge @!p0 [sflag:s0], $0x6400  }
0x17c: {  	[sflag:s0] =	ssyncset.done @!p0 $0x0  }
0x17d: {  	s25 =	simm.s32 $0x0;
	[sflag:s0] =	ssyncadd.s32 @!p0 $0xFFFF9C00  }
0x17e: {  	v0 =	vld [tilespmem:s25+$0x6680]  }
0x17f: {  	v1 =	vld [tilespmem:s25+$0x6500]  }
0x180: {  	v2 =	vld [tilespmem:s25+$0x6580]  }
0x181: {  	v3 =	vld [tilespmem:s25+$0x6600]  }
0x182: {  	v4 =	vld [tilespmem:s25+$0x6510]  }
0x183: {  	v5 =	vld [tilespmem:s25+$0x6690]  }
0x184: {  	v6 =	vld [tilespmem:s25+$0x6590]  }
0x185: {  	v7 =	vld [tilespmem:s25+$0x6610]  }
0x186: {  	v8 =	vld [tilespmem:s25+$0x6520]  }
0x187: {  	v9 =	vld [tilespmem:s25+$0x65A0]  }
0x188: {  	v10 =	vld [tilespmem:s25+$0x6620];
	v0 =	vmul.f32 $2.550000000e+02, v0  }
0x189: {  	v11 =	vld [tilespmem:s25+$0x6530];
	v1 =	vmul.f32 $2.550000000e+02, v1  }
0x18a: {  	v12 =	vld [tilespmem:s25+$0x66A0];
	v2 =	vmul.f32 $2.550000000e+02, v2;
	v0 =	vtrunc.f32 v0  }
0x18b: {  	v13 =	vld [tilespmem:s25+$0x65B0];
	v5 =	vmul.f32 $2.550000000e+02, v5;
	v0 =	vcvt.f32.s32 v0  }
0x18c: {  	v14 =	vld [tilespmem:s25+$0x6630];
	v3 =	vmul.f32 $2.550000000e+02, v3;
	v1 =	vtrunc.f32 v1  }
0x18d: {  	v15 =	vld [tilespmem:s25+$0x6540];
	v2 =	vtrunc.f32 v2;
	v1 =	vcvt.f32.s32 v1;
	v0 =	vmin.u32 v0, $0xFF  }
0x18e: {  	v16 =	vld [tilespmem:s25+$0x65C0];
	v3 =	vtrunc.f32 v3;
	v2 =	vcvt.f32.s32 v2  }
0x18f: {  	v24 =	vld [tilespmem:s25+$0x6550];
	v3 =	vcvt.f32.s32 v3;
	v1 =	vmin.u32 v1, $0xFF  }
0x190: {  	v26 =	vld [tilespmem:s25+$0x6650];
	v5 =	vtrunc.f32 v5;
	v2 =	vmin.u32 v2, $0xFF  }
0x191: {  	v27 =	vld [tilespmem:s25+$0x65E0];
	v4 =	vmul.f32 $2.550000000e+02, v4;
	v5 =	vcvt.f32.s32 v5;
	v3 =	vmin.u32 v3, $0xFF  }
0x192: {  	v6 =	vmul.f32 $2.550000000e+02, v6;
	v7 =	vmul.f32 $2.550000000e+02, v7;
	v0 =	vld.idx.msk [tilespmem:v0+s4+$0x0], $0xffff  }
0x193: {  	v28 =	vld [tilespmem:s25+$0x6570];
	v12 =	vmul.f32 $2.550000000e+02, v12;
	v4 =	vtrunc.f32 v4;
	v5 =	vmin.u32 v5, $0xFF  }
0x194: {  	v6 =	vtrunc.f32 v6;
	v4 =	vcvt.f32.s32 v4;
	v1 =	vld.idx.msk [tilespmem:v1+s4+$0x0], $0xffff  }
0x195: {  	v12 =	vtrunc.f32 v12;
	v6 =	vcvt.f32.s32 v6;
	v2 =	vld.idx.msk [tilespmem:v2+s4+$0x0], $0xffff  }
0x196: {  	v12 =	vcvt.f32.s32 v12;
	v4 =	vmin.u32 v4, $0xFF;
	v3 =	vld.idx.msk [tilespmem:v3+s4+$0x0], $0xffff  }
0x197: {  	v6 =	vmin.u32 v6, $0xFF;
	[tilespmem:s25+$0x12E80] =	vst v0;
	v0 =	vtrunc.f32 v7;
	v7 =	vmul.f32 $2.550000000e+02, v8;
	v8 =	vld [tilespmem:s25+$0x66B0]  }
0x198: {  	s26 =	simm.s32 $0x200;
	v9 =	vmul.f32 $2.550000000e+02, v9;
	v0 =	vcvt.f32.s32 v0;
	v5 =	vld.idx.msk [tilespmem:v5+s4+$0x0], $0xffff  }
0x199: {  	v30 =	vld [tilespmem:s26+$0x6610];
	v10 =	vmul.f32 $2.550000000e+02, v10;
	v12 =	vmin.u32 v12, $0xFF  }
0x19a: {  	v31 =	vld [tilespmem:s26+$0x6690];
	v9 =	vtrunc.f32 v9;
	[tilespmem:s25+$0x12D00] =	vst v1;
	v7 =	vtrunc.f32 v7;
	v0 =	vmin.u32 v0, $0xFF  }
0x19b: {  	v9 =	vcvt.f32.s32 v9;
	[tilespmem:s25+$0x12D80] =	vst v2;
	v4 =	vld.idx.msk [tilespmem:v4+s4+$0x0], $0xffff;
	v7 =	vcvt.f32.s32 v7  }
0x19c: {  	[tilespmem:s25+$0x12E00] =	vst v3;
	v6 =	vld.idx.msk [tilespmem:v6+s4+$0x0], $0xffff;
	v2 =	vmul.f32 $2.550000000e+02, v8;
	v8 =	vtrunc.f32 v10  }
0x19d: {  	v3 =	vld [tilespmem:s25+$0x66C0];
	v7 =	vmin.u32 v7, $0xFF;
	[tilespmem:s25+$0x12E90] =	vst v5;
	v5 =	vcvt.f32.s32 v8  }
0x19e: {  	v8 =	vmin.u32 v9, $0xFF;
	v9 =	vmul.f32 $2.550000000e+02, v11;
	v2 =	vtrunc.f32 v2;
	v11 =	vld.idx.msk [tilespmem:v12+s4+$0x0], $0xffff  }
0x19f: {  	v0 =	vld.idx.msk [tilespmem:v0+s4+$0x0], $0xffff;
	v2 =	vcvt.f32.s32 v2  }
0x1a0: {  	v33 =	vld [tilespmem:s26+$0x65A0];
	v10 =	vmul.f32 $2.550000000e+02, v13;
	[tilespmem:s25+$0x12D10] =	vst v4;
	v5 =	vmin.u32 v5, $0xFF  }
0x1a1: {  	v1 =	vld [tilespmem:s25+$0x6640];
	[tilespmem:s25+$0x12D90] =	vst v6;
	v6 =	vmul.f32 $2.550000000e+02, v14;
	v9 =	vtrunc.f32 v9;
	v2 =	vmin.u32 v2, $0xFF  }
0x1a2: {  	v10 =	vtrunc.f32 v10;
	v9 =	vcvt.f32.s32 v9;
	v7 =	vld.idx.msk [tilespmem:v7+s4+$0x0], $0xffff  }
0x1a3: {  	v3 =	vmul.f32 $2.550000000e+02, v3;
	v10 =	vcvt.f32.s32 v10;
	v8 =	vld.idx.msk [tilespmem:v8+s4+$0x0], $0xffff;
	[tilespmem:s25+$0x12EA0] =	vst v11  }
0x1a4: {  	v25 =	vmul.f32 $2.550000000e+02, v16;
	v6 =	vtrunc.f32 v6;
	v11 =	vld [tilespmem:s25+$0x66D0];
	[tilespmem:s25+$0x12E10] =	vst v0;
	v0 =	vmin.u32 v9, $0xFF  }
0x1a5: {  	v3 =	vtrunc.f32 v3;
	v6 =	vcvt.f32.s32 v6;
	v9 =	vmin.u32 v10, $0xFF;
	v5 =	vld.idx.msk [tilespmem:v5+s4+$0x0], $0xffff  }
0x1a6: {  	v3 =	vcvt.f32.s32 v3;
	v10 =	vmul.f32 $2.550000000e+02, v15;
	v2 =	vld.idx.msk [tilespmem:v2+s4+$0x0], $0xffff  }
0x1a7: {  	v17 =	vld [tilespmem:s26+$0x6620];
	v1 =	vmul.f32 $2.550000000e+02, v1;
	v6 =	vmin.u32 v6, $0xFF  }
0x1a8: {  	v13 =	vtrunc.f32 v25;
	v4 =	vld [tilespmem:s25+$0x65D0];
	v3 =	vmin.u32 v3, $0xFF;
	[tilespmem:s25+$0x12D20] =	vst v7;
	v7 =	vtrunc.f32 v10  }
0x1a9: {  	v7 =	vcvt.f32.s32 v7;
	[tilespmem:s25+$0x12DA0] =	vst v8;
	v8 =	vcvt.f32.s32 v13;
	v0 =	vld.idx.msk [tilespmem:v0+s4+$0x0], $0xffff  }
0x1aa: {  	v1 =	vtrunc.f32 v1;
	v9 =	vld.idx.msk [tilespmem:v9+s4+$0x0], $0xffff;
	[tilespmem:s25+$0x12E20] =	vst v5  }
0x1ab: {  	v8 =	vmin.u32 v8, $0xFF;
	[tilespmem:s25+$0x12EB0] =	vst v2;
	v2 =	vmin.u32 v7, $0xFF;
	v7 =	vmul.f32 $2.550000000e+02, v11;
	v11 =	vld [tilespmem:s25+$0x66E0]  }
0x1ac: {  	v1 =	vcvt.f32.s32 v1;
	v5 =	vld.idx.msk [tilespmem:v6+s4+$0x0], $0xffff  }
0x1ad: {  	v12 =	vmul.f32 $2.550000000e+02, v24;
	v3 =	vld.idx.msk [tilespmem:v3+s4+$0x0], $0xffff;
	v6 =	vtrunc.f32 v7  }
0x1ae: {  	v18 =	vld [tilespmem:s26+$0x6530];
	v1 =	vmin.u32 v1, $0xFF;
	v6 =	vcvt.f32.s32 v6  }
0x1af: {  	v12 =	vtrunc.f32 v12;
	v10 =	vld [tilespmem:s25+$0x6560];
	v7 =	vmul.f32 $2.550000000e+02, v26;
	[tilespmem:s25+$0x12DB0] =	vst v9  }
0x1b0: {  	v12 =	vcvt.f32.s32 v12;
	[tilespmem:s25+$0x12D30] =	vst v0;
	v8 =	vld.idx.msk [tilespmem:v8+s4+$0x0], $0xffff;
	v6 =	vmin.u32 v6, $0xFF  }
0x1b1: {  	v7 =	vtrunc.f32 v7;
	v2 =	vld.idx.msk [tilespmem:v2+s4+$0x0], $0xffff;
	v9 =	vmul.f32 $2.550000000e+02, v11;
	[tilespmem:s25+$0x12E30] =	vst v5  }
0x1b2: {  	v4 =	vmul.f32 $2.550000000e+02, v4;
	v11 =	vld [tilespmem:s25+$0x66F0];
	[tilespmem:s25+$0x12EC0] =	vst v3;
	v3 =	vcvt.f32.s32 v7  }
0x1b3: {  	v7 =	vmin.u32 v12, $0xFF;
	v1 =	vld.idx.msk [tilespmem:v1+s4+$0x0], $0xffff;
	v9 =	vtrunc.f32 v9  }
0x1b4: {  	v19 =	vld [tilespmem:s26+$0x65B0];
	v4 =	vtrunc.f32 v4;
	v3 =	vmin.u32 v3, $0xFF;
	v9 =	vcvt.f32.s32 v9  }
0x1b5: {  	v4 =	vcvt.f32.s32 v4;
	v10 =	vmul.f32 $2.550000000e+02, v10;
	v6 =	vld.idx.msk [tilespmem:v6+s4+$0x0], $0xffff  }
0x1b6: {  	v20 =	vld [tilespmem:s26+$0x6630];
	[tilespmem:s25+$0x12D40] =	vst v2;
	v2 =	vmin.u32 v9, $0xFF  }
0x1b7: {  	v21 =	vld [tilespmem:s26+$0x66A0];
	v4 =	vmin.u32 v4, $0xFF;
	v10 =	vtrunc.f32 v10;
	[tilespmem:s25+$0x12DC0] =	vst v8;
	v8 =	vmul.f32 $2.550000000e+02, v11  }
0x1b8: {  	v10 =	vcvt.f32.s32 v10;
	v7 =	vld.idx.msk [tilespmem:v7+s4+$0x0], $0xffff;
	[tilespmem:s25+$0x12E40] =	vst v1  }
0x1b9: {  	v11 =	vld.idx.msk [tilespmem:v3+s4+$0x0], $0xffff;
	v3 =	vtrunc.f32 v8  }
0x1ba: {  	v35 =	vld [tilespmem:s26+$0x66B0];
	v9 =	vmin.u32 v10, $0xFF;
	v3 =	vcvt.f32.s32 v3;
	[tilespmem:s25+$0x12ED0] =	vst v6  }
0x1bb: {  	v2 =	vld.idx.msk [tilespmem:v2+s4+$0x0], $0xffff  }
0x1bc: {  	v10 =	vld.idx.msk [tilespmem:v4+s4+$0x0], $0xffff;
	v6 =	vmin.u32 v3, $0xFF  }
0x1bd: {  	v8 =	vld [tilespmem:s26+$0x6580]  }
0x1be: {  	[tilespmem:s25+$0x12D50] =	vst v7;
	v7 =	vld [tilespmem:s26+$0x6680]  }
0x1bf: {  	v3 =	vld.idx.msk [tilespmem:v9+s4+$0x0], $0xffff  }
0x1c0: {  	v21 =	vmul.f32 $2.550000000e+02, v21;
	v9 =	vld [tilespmem:s26+$0x6600];
	[tilespmem:s25+$0x12EE0] =	vst v2  }
0x1c1: {  	v16 =	vmul.f32 $2.550000000e+02, v33;
	v17 =	vmul.f32 $2.550000000e+02, v17;
	v2 =	vld.idx.msk [tilespmem:v6+s4+$0x0], $0xffff  }
0x1c2: {  	v37 =	vmul.f32 $2.550000000e+02, v35;
	v8 =	vmul.f32 $2.550000000e+02, v8;
	v6 =	vld [tilespmem:s26+$0x6500]  }
0x1c3: {  	v39 =	vmul.f32 $2.550000000e+02, v18;
	v19 =	vmul.f32 $2.550000000e+02, v19;
	[tilespmem:s25+$0x12E50] =	vst v11;
	v11 =	vld [tilespmem:s26+$0x6590]  }
0x1c4: {  	v32 =	vld [tilespmem:s26+$0x6520];
	v8 =	vtrunc.f32 v8;
	v7 =	vmul.f32 $2.550000000e+02, v7  }
0x1c5: {  	v40 =	vld [tilespmem:s26+$0x66C0];
	v20 =	vmul.f32 $2.550000000e+02, v20;
	v8 =	vcvt.f32.s32 v8  }
0x1c6: {  	v22 =	vld [tilespmem:s26+$0x6540];
	v9 =	vmul.f32 $2.550000000e+02, v9;
	v7 =	vtrunc.f32 v7  }
0x1c7: {  	v23 =	vld [tilespmem:s26+$0x65C0];
	v8 =	vmin.u32 v8, $0xFF;
	v7 =	vcvt.f32.s32 v7;
	v6 =	vmul.f32 $2.550000000e+02, v6  }
0x1c8: {  	[tilespmem:s25+$0x12DD0] =	vst v10;
	v10 =	vld [tilespmem:s26+$0x6510];
	v11 =	vmul.f32 $2.550000000e+02, v11;
	v9 =	vtrunc.f32 v9  }
0x1c9: {  	v38 =	vld [tilespmem:s26+$0x6550];
	v9 =	vcvt.f32.s32 v9;
	v7 =	vmin.u32 v7, $0xFF;
	v6 =	vtrunc.f32 v6  }
0x1ca: {  	v43 =	vld [tilespmem:s26+$0x6650];
	v18 =	vmul.f32 $2.550000000e+02, v40;
	v6 =	vcvt.f32.s32 v6  }
0x1cb: {  	v45 =	vld [tilespmem:s26+$0x66D0];
	v14 =	vmul.f32 $2.550000000e+02, v31;
	v11 =	vtrunc.f32 v11;
	v9 =	vmin.u32 v9, $0xFF  }
0x1cc: {  	v13 =	vmul.f32 $2.550000000e+02, v30;
	v11 =	vcvt.f32.s32 v11;
	v8 =	vld.idx.msk [tilespmem:v8+s4+$0x0], $0xffff;
	v6 =	vmin.u32 v6, $0xFF  }
0x1cd: {  	v49 =	vld [tilespmem:s26+$0x65E0];
	v14 =	vtrunc.f32 v14;
	v10 =	vmul.f32 $2.550000000e+02, v10  }
0x1ce: {  	v14 =	vcvt.f32.s32 v14;
	v13 =	vtrunc.f32 v13;
	v11 =	vmin.u32 v11, $0xFF;
	v7 =	vld.idx.msk [tilespmem:v7+s4+$0x0], $0xffff  }
0x1cf: {  	v51 =	vld [tilespmem:s26+$0x66E0];
	v13 =	vcvt.f32.s32 v13;
	v10 =	vtrunc.f32 v10  }
0x1d0: {  	v44 =	vmul.f32 $2.550000000e+02, v22;
	v14 =	vmin.u32 v14, $0xFF;
	v10 =	vcvt.f32.s32 v10;
	v9 =	vld.idx.msk [tilespmem:v9+s4+$0x0], $0xffff  }
0x1d1: {  	v46 =	vmul.f32 $2.550000000e+02, v23;
	v13 =	vmin.u32 v13, $0xFF;
	[tilespmem:s26+$0x12D80] =	vst v8;
	v8 =	vtrunc.f32 v16;
	v6 =	vld.idx.msk [tilespmem:v6+s4+$0x0], $0xffff  }
0x1d2: {  	v56 =	vld [tilespmem:s26+$0x66F0];
	v48 =	vmul.f32 $2.550000000e+02, v45;
	v10 =	vmin.u32 v10, $0xFF;
	v8 =	vcvt.f32.s32 v8  }
0x1d3: {  	v34 =	vtrunc.f32 v21;
	v11 =	vld.idx.msk [tilespmem:v11+s4+$0x0], $0xffff;
	[tilespmem:s26+$0x12E80] =	vst v7;
	v7 =	vmul.f32 $2.550000000e+02, v32  }
0x1d4: {  	v47 =	vld [tilespmem:s26+$0x6560];
	v36 =	vtrunc.f32 v17;
	v15 =	vcvt.f32.s32 v34;
	v8 =	vmin.u32 v8, $0xFF  }
0x1d5: {  	v14 =	vld.idx.msk [tilespmem:v14+s4+$0x0], $0xffff;
	[tilespmem:s26+$0x12E00] =	vst v9;
	v9 =	vcvt.f32.s32 v36;
	v7 =	vtrunc.f32 v7  }
0x1d6: {  	v50 =	vmul.f32 $2.550000000e+02, v38;
	v15 =	vmin.u32 v15, $0xFF;
	v13 =	vld.idx.msk [tilespmem:v13+s4+$0x0], $0xffff;
	v7 =	vcvt.f32.s32 v7;
	[tilespmem:s26+$0x12D00] =	vst v6  }
0x1d7: {  	v54 =	vmul.f32 $2.550000000e+02, v51;
	v57 =	vmul.f32 $2.550000000e+02, v49;
	v9 =	vmin.u32 v9, $0xFF;
	v10 =	vld.idx.msk [tilespmem:v10+s4+$0x0], $0xffff  }
0x1d8: {  	v60 =	vmul.f32 $2.550000000e+02, v56;
	v0 =	vld [tilespmem:s25+$0x6660];
	[tilespmem:s26+$0x12D90] =	vst v11;
	v11 =	vtrunc.f32 v19;
	v7 =	vmin.u32 v7, $0xFF  }
0x1d9: {  	v41 =	vtrunc.f32 v20;
	v11 =	vcvt.f32.s32 v11;
	v8 =	vld.idx.msk [tilespmem:v8+s4+$0x0], $0xffff  }
0x1da: {  	v18 =	vtrunc.f32 v18;
	v16 =	vtrunc.f32 v37;
	v6 =	vld [tilespmem:s26+$0x6640];
	[tilespmem:s26+$0x12E90] =	vst v14  }
0x1db: {  	v5 =	vmul.f32 $2.550000000e+02, v27;
	v16 =	vcvt.f32.s32 v16;
	v11 =	vmin.u32 v11, $0xFF;
	v15 =	vld.idx.msk [tilespmem:v15+s4+$0x0], $0xffff;
	[tilespmem:s26+$0x12E10] =	vst v13  }
0x1dc: {  	v42 =	vcvt.f32.s32 v41;
	v14 =	vtrunc.f32 v39;
	v9 =	vld.idx.msk [tilespmem:v9+s4+$0x0], $0xffff;
	[tilespmem:s26+$0x12D10] =	vst v10  }
0x1dd: {  	v5 =	vtrunc.f32 v5;
	v16 =	vmin.u32 v16, $0xFF;
	v14 =	vcvt.f32.s32 v14;
	v7 =	vld.idx.msk [tilespmem:v7+s4+$0x0], $0xffff  }
0x1de: {  	v18 =	vcvt.f32.s32 v18;
	v29 =	vcvt.f32.s32 v5;
	v5 =	vld [tilespmem:s25+$0x65F0];
	v13 =	vmin.u32 v42, $0xFF  }
0x1df: {  	v4 =	vld [tilespmem:s25+$0x6670];
	v14 =	vmin.u32 v14, $0xFF;
	[tilespmem:s26+$0x12DA0] =	vst v8;
	v8 =	vtrunc.f32 v46;
	v6 =	vmul.f32 $2.550000000e+02, v6  }
0x1e0: {  	v12 =	vmul.f32 $2.550000000e+02, v28;
	v8 =	vcvt.f32.s32 v8;
	v11 =	vld.idx.msk [tilespmem:v11+s4+$0x0], $0xffff;
	[tilespmem:s26+$0x12EA0] =	vst v15  }
0x1e1: {  	v0 =	vmul.f32 $2.550000000e+02, v0;
	v10 =	vld [tilespmem:s26+$0x65D0];
	v6 =	vtrunc.f32 v6;
	[tilespmem:s26+$0x12E20] =	vst v9  }
0x1e2: {  	v16 =	vld.idx.msk [tilespmem:v16+s4+$0x0], $0xffff;
	v8 =	vmin.u32 v8, $0xFF;
	v6 =	vcvt.f32.s32 v6;
	[tilespmem:s26+$0x12D20] =	vst v7;
	v7 =	vtrunc.f32 v44  }
0x1e3: {  	v18 =	vmin.u32 v18, $0xFF;
	v12 =	vtrunc.f32 v12;
	v9 =	vld.idx.msk [tilespmem:v13+s4+$0x0], $0xffff;
	v7 =	vcvt.f32.s32 v7  }
0x1e4: {  	v12 =	vcvt.f32.s32 v12;
	v0 =	vtrunc.f32 v0;
	v6 =	vmin.u32 v6, $0xFF;
	v14 =	vld.idx.msk [tilespmem:v14+s4+$0x0], $0xffff  }
0x1e5: {  	v52 =	vld [tilespmem:s26+$0x6660];
	v0 =	vcvt.f32.s32 v0;
	v5 =	vmul.f32 $2.550000000e+02, v5;
	v7 =	vmin.u32 v7, $0xFF  }
0x1e6: {  	v55 =	vld [tilespmem:s26+$0x6570];
	v1 =	vmin.u32 v29, $0xFF;
	v19 =	vmul.f32 $2.550000000e+02, v43;
	v13 =	vtrunc.f32 v48;
	[tilespmem:s26+$0x12DB0] =	vst v11  }
0x1e7: {  	v5 =	vtrunc.f32 v5;
	v13 =	vcvt.f32.s32 v13;
	[tilespmem:s26+$0x12EB0] =	vst v16;
	v8 =	vld.idx.msk [tilespmem:v8+s4+$0x0], $0xffff  }
0x1e8: {  	v0 =	vmin.u32 v0, $0xFF;
	v53 =	vtrunc.f32 v19;
	v10 =	vmul.f32 $2.550000000e+02, v10;
	v18 =	vld.idx.msk [tilespmem:v18+s4+$0x0], $0xffff;
	[tilespmem:s26+$0x12E30] =	vst v9  }
0x1e9: {  	v4 =	vmul.f32 $2.550000000e+02, v4;
	v13 =	vmin.u32 v13, $0xFF;
	v9 =	vcvt.f32.s32 v53;
	v6 =	vld.idx.msk [tilespmem:v6+s4+$0x0], $0xffff;
	[tilespmem:s26+$0x12D30] =	vst v14  }
0x1ea: {  	v16 =	vtrunc.f32 v50;
	v10 =	vtrunc.f32 v10;
	v7 =	vld.idx.msk [tilespmem:v7+s4+$0x0], $0xffff  }
0x1eb: {  	v1 =	vld.idx.msk [tilespmem:v1+s4+$0x0], $0xffff;
	[tilespmem:s25+$0x12D60] =	vst v3;
	v11 =	vcvt.f32.s32 v16;
	v16 =	vtrunc.f32 v54;
	v9 =	vmin.u32 v9, $0xFF  }
0x1ec: {  	v10 =	vcvt.f32.s32 v10;
	[tilespmem:s26+$0x12DC0] =	vst v8;
	v14 =	vmul.f32 $2.550000000e+02, v52  }
0x1ed: {  	v5 =	vcvt.f32.s32 v5;
	v0 =	vld.idx.msk [tilespmem:v0+s4+$0x0], $0xffff;
	v16 =	vcvt.f32.s32 v16;
	v11 =	vmin.u32 v11, $0xFF;
	[tilespmem:s26+$0x12EC0] =	vst v18  }
0x1ee: {  	v15 =	vmul.f32 $2.550000000e+02, v47;
	v10 =	vmin.u32 v10, $0xFF;
	v13 =	vld.idx.msk [tilespmem:v13+s4+$0x0], $0xffff;
	v14 =	vtrunc.f32 v14;
	[tilespmem:s26+$0x12E40] =	vst v6  }
0x1ef: {  	v4 =	vtrunc.f32 v4;
	v8 =	vmin.u32 v16, $0xFF;
	v3 =	vcvt.f32.s32 v14;
	[tilespmem:s26+$0x12D40] =	vst v7;
	v7 =	vld [tilespmem:s26+$0x65F0]  }
0x1f0: {  	v12 =	vmin.u32 v12, $0xFF;
	[tilespmem:s25+$0x12DE0] =	vst v1;
	v1 =	vmul.f32 $2.550000000e+02, v55;
	v15 =	vtrunc.f32 v15;
	v9 =	vld.idx.msk [tilespmem:v9+s4+$0x0], $0xffff  }
0x1f1: {  	v61 =	vld [tilespmem:s26+$0x6670];
	v19 =	vtrunc.f32 v57;
	v15 =	vcvt.f32.s32 v15;
	v63 =	vmin.u32 v3, $0xFF  }
0x1f2: {  	v58 =	vmin.u32 v5, $0xFF;
	v62 =	vcvt.f32.s32 v4;
	[tilespmem:s25+$0x12E60] =	vst v0;
	v5 =	vcvt.f32.s32 v19;
	v11 =	vld.idx.msk [tilespmem:v11+s4+$0x0], $0xffff  }
0x1f3: {  	v0 =	vtrunc.f32 v1;
	v1 =	vtrunc.f32 v60;
	v6 =	vmin.u32 v15, $0xFF;
	v10 =	vld.idx.msk [tilespmem:v10+s4+$0x0], $0xffff;
	[tilespmem:s26+$0x12ED0] =	vst v13  }
0x1f4: {  	v59 =	vmin.u32 v5, $0xFF;
	v4 =	vld.idx.msk [tilespmem:v8+s4+$0x0], $0xffff;
	v8 =	vcvt.f32.s32 v1;
	v3 =	vmul.f32 $2.550000000e+02, v7  }
0x1f5: {  	v5 =	vld.idx.msk [tilespmem:v12+s4+$0x0], $0xffff;
	v1 =	vmin.u32 v62, $0xFF;
	[tilespmem:s26+$0x12E50] =	vst v9  }
0x1f6: {  	v9 =	vmin.u32 v8, $0xFF;
	v8 =	vld.idx.msk [tilespmem:v63+s4+$0x0], $0xffff;
	v7 =	vtrunc.f32 v3  }
0x1f7: {  	v0 =	vcvt.f32.s32 v0;
	[tilespmem:s26+$0x12D50] =	vst v11;
	v3 =	vld.idx.msk [tilespmem:v58+s4+$0x0], $0xffff;
	v11 =	vcvt.f32.s32 v7  }
0x1f8: {  	[tilespmem:s26+$0x12DD0] =	vst v10;
	v10 =	vmul.f32 $2.550000000e+02, v61;
	v6 =	vld.idx.msk [tilespmem:v6+s4+$0x0], $0xffff  }
0x1f9: {  	s1 =	simm.s32 $0x4;
	s2 =	simm.s32 $0x1000;
	s0 =	sor.u32 s11, s24;
	v0 =	vmin.u32 v0, $0xFF;
	[tilespmem:s25+$0x12EF0] =	vst v2;
	v7 =	vld.idx.msk [tilespmem:v59+s4+$0x0], $0xffff;
	v2 =	vmin.u32 v11, $0xFF  }
.LBB2_5:
0x1fa: {  	s24 =	sshra.s32 s2, $0x2;
	v10 =	vtrunc.f32 v10;
	[tilespmem:s25+$0x12D70] =	vst v5;
	v5 =	vld.idx.msk [tilespmem:v1+s4+$0x0], $0xffff  }
0x1fb: {  	s1 =	sadd.s32 $0x4, s1;
	v11 =	vld [tilespmem:s24+$0x6680];
	v1 =	vcvt.f32.s32 v10;
	[tilespmem:s26+$0x12EE0] =	vst v4  }
0x1fc: {  	p1 =	slt.u32 s1, $0xC4;
	v4 =	vld.idx.msk [tilespmem:v9+s4+$0x0], $0xffff;
	[tilespmem:s25+$0x12DF0] =	vst v3  }
0x1fd: {  	v3 =	vld [tilespmem:s24+$0x6500];
	[tilespmem:s26+$0x12D60] =	vst v6;
	v1 =	vmin.u32 v1, $0xFF  }
0x1fe: {  	v6 =	vld [tilespmem:s24+$0x6580];
	[tilespmem:s26+$0x12DE0] =	vst v7  }
0x1ff: {  	v7 =	vld [tilespmem:s24+$0x6600];
	[tilespmem:s26+$0x12E60] =	vst v8  }
0x200: {  	v8 =	vld [tilespmem:s24+$0x6510];
	[tilespmem:s25+$0x12E70] =	vst v5;
	s25 =	smov.u32 s26;
	s26 =	smov.u32 s24  }
0x201: {  	v9 =	vmul.f32 $2.550000000e+02, v11;
	v5 =	vld [tilespmem:s26+$0x6590]  }
0x202: {  	v3 =	vmul.f32 $2.550000000e+02, v3;
	v10 =	vld [tilespmem:s26+$0x6610];
	[tilespmem:s25+$0x12EF0] =	vst v4  }
0x203: {  	v4 =	vmul.f32 $2.550000000e+02, v6;
	v6 =	vtrunc.f32 v9;
	v9 =	vld [tilespmem:s26+$0x6690]  }
0x204: {  	v11 =	vld [tilespmem:s26+$0x6520];
	v7 =	vmul.f32 $2.550000000e+02, v7;
	v6 =	vcvt.f32.s32 v6  }
0x205: {  	v3 =	vtrunc.f32 v3;
	v4 =	vtrunc.f32 v4;
	v12 =	vld [tilespmem:s26+$0x65A0]  }
0x206: {  	v3 =	vcvt.f32.s32 v3;
	v7 =	vtrunc.f32 v7;
	v13 =	vld [tilespmem:s26+$0x6620];
	v6 =	vmin.u32 v6, $0xFF  }
0x207: {  	v4 =	vcvt.f32.s32 v4;
	v14 =	vld [tilespmem:s26+$0x6530];
	v7 =	vcvt.f32.s32 v7  }
0x208: {  	v8 =	vmul.f32 $2.550000000e+02, v8;
	v3 =	vmin.u32 v3, $0xFF;
	v15 =	vld [tilespmem:s26+$0x65B0];
	v9 =	vmul.f32 $2.550000000e+02, v9  }
0x209: {  	v5 =	vmul.f32 $2.550000000e+02, v5;
	v4 =	vmin.u32 v4, $0xFF;
	v7 =	vmin.u32 v7, $0xFF;
	v16 =	vld [tilespmem:s26+$0x6630]  }
0x20a: {  	v10 =	vmul.f32 $2.550000000e+02, v10;
	v9 =	vtrunc.f32 v9;
	v17 =	vld [tilespmem:s26+$0x66A0]  }
0x20b: {  	v8 =	vtrunc.f32 v8;
	v6 =	vld.idx.msk [tilespmem:v6+s4+$0x0], $0xffff;
	v9 =	vcvt.f32.s32 v9  }
0x20c: {  	v5 =	vtrunc.f32 v5;
	v10 =	vtrunc.f32 v10;
	v18 =	vld [tilespmem:s26+$0x6540]  }
0x20d: {  	v8 =	vcvt.f32.s32 v8;
	v5 =	vcvt.f32.s32 v5;
	v3 =	vld.idx.msk [tilespmem:v3+s4+$0x0], $0xffff;
	v9 =	vmin.u32 v9, $0xFF  }
0x20e: {  	v11 =	vmul.f32 $2.550000000e+02, v11;
	v10 =	vcvt.f32.s32 v10;
	v4 =	vld.idx.msk [tilespmem:v4+s4+$0x0], $0xffff  }
0x20f: {  	v8 =	vmin.u32 v8, $0xFF;
	v5 =	vmin.u32 v5, $0xFF;
	v7 =	vld.idx.msk [tilespmem:v7+s4+$0x0], $0xffff;
	v17 =	vmul.f32 $2.550000000e+02, v17  }
0x210: {  	v12 =	vmul.f32 $2.550000000e+02, v12;
	v13 =	vmul.f32 $2.550000000e+02, v13;
	v10 =	vmin.u32 v10, $0xFF;
	v19 =	vld [tilespmem:s26+$0x65C0]  }
0x211: {  	v11 =	vtrunc.f32 v11;
	[tilespmem:s26+$0x12E80] =	vst v6;
	v6 =	vtrunc.f32 v17;
	v17 =	vld [tilespmem:s26+$0x66B0]  }
0x212: {  	v12 =	vtrunc.f32 v12;
	v9 =	vld.idx.msk [tilespmem:v9+s4+$0x0], $0xffff;
	v6 =	vcvt.f32.s32 v6  }
0x213: {  	[tilespmem:s26+$0x12D00] =	vst v3;
	v3 =	vcvt.f32.s32 v11;
	v11 =	vtrunc.f32 v13;
	v13 =	vld [tilespmem:s26+$0x6640]  }
0x214: {  	v8 =	vld.idx.msk [tilespmem:v8+s4+$0x0], $0xffff;
	[tilespmem:s26+$0x12D80] =	vst v4;
	v4 =	vcvt.f32.s32 v12;
	v11 =	vcvt.f32.s32 v11;
	v6 =	vmin.u32 v6, $0xFF  }
0x215: {  	v12 =	vmul.f32 $2.550000000e+02, v14;
	v14 =	vmul.f32 $2.550000000e+02, v15;
	v3 =	vmin.u32 v3, $0xFF;
	v5 =	vld.idx.msk [tilespmem:v5+s4+$0x0], $0xffff;
	[tilespmem:s26+$0x12E00] =	vst v7  }
0x216: {  	v4 =	vmin.u32 v4, $0xFF;
	v7 =	vld.idx.msk [tilespmem:v10+s4+$0x0], $0xffff;
	v10 =	vmin.u32 v11, $0xFF;
	v11 =	vmul.f32 $2.550000000e+02, v17  }
0x217: {  	v16 =	vmul.f32 $2.550000000e+02, v16;
	v12 =	vtrunc.f32 v12;
	v15 =	vld [tilespmem:s26+$0x6550]  }
0x218: {  	v14 =	vtrunc.f32 v14;
	[tilespmem:s26+$0x12E90] =	vst v9;
	v9 =	vtrunc.f32 v11;
	v11 =	vld [tilespmem:s26+$0x66C0]  }
0x219: {  	v16 =	vtrunc.f32 v16;
	v6 =	vld.idx.msk [tilespmem:v6+s4+$0x0], $0xffff;
	v9 =	vcvt.f32.s32 v9  }
0x21a: {  	[tilespmem:s26+$0x12D10] =	vst v8;
	v8 =	vcvt.f32.s32 v12;
	v12 =	vcvt.f32.s32 v14;
	v14 =	vld [tilespmem:s26+$0x65D0]  }
0x21b: {  	v17 =	vmul.f32 $2.550000000e+02, v18;
	v3 =	vld.idx.msk [tilespmem:v3+s4+$0x0], $0xffff;
	[tilespmem:s26+$0x12D90] =	vst v5;
	v5 =	vcvt.f32.s32 v16;
	v9 =	vmin.u32 v9, $0xFF  }
0x21c: {  	v16 =	vmul.f32 $2.550000000e+02, v19;
	v8 =	vmin.u32 v8, $0xFF;
	v4 =	vld.idx.msk [tilespmem:v4+s4+$0x0], $0xffff;
	v12 =	vmin.u32 v12, $0xFF;
	[tilespmem:s26+$0x12E10] =	vst v7  }
0x21d: {  	v7 =	vld.idx.msk [tilespmem:v10+s4+$0x0], $0xffff;
	v5 =	vmin.u32 v5, $0xFF;
	v10 =	vmul.f32 $2.550000000e+02, v13;
	v11 =	vmul.f32 $2.550000000e+02, v11  }
0x21e: {  	v13 =	vtrunc.f32 v17;
	v16 =	vtrunc.f32 v16;
	v17 =	vld [tilespmem:s26+$0x6650]  }
0x21f: {  	v10 =	vtrunc.f32 v10;
	[tilespmem:s26+$0x12EA0] =	vst v6;
	v6 =	vtrunc.f32 v11;
	v11 =	vld [tilespmem:s26+$0x66D0]  }
0x220: {  	v13 =	vcvt.f32.s32 v13;
	v9 =	vld.idx.msk [tilespmem:v9+s4+$0x0], $0xffff;
	v6 =	vcvt.f32.s32 v6  }
0x221: {  	v16 =	vcvt.f32.s32 v16;
	v10 =	vcvt.f32.s32 v10;
	[tilespmem:s26+$0x12D20] =	vst v3;
	v3 =	vld [tilespmem:s26+$0x6560]  }
0x222: {  	v15 =	vmul.f32 $2.550000000e+02, v15;
	v13 =	vmin.u32 v13, $0xFF;
	v8 =	vld.idx.msk [tilespmem:v8+s4+$0x0], $0xffff;
	[tilespmem:s26+$0x12DA0] =	vst v4;
	v4 =	vmin.u32 v6, $0xFF  }
0x223: {  	v14 =	vmul.f32 $2.550000000e+02, v14;
	v6 =	vld.idx.msk [tilespmem:v12+s4+$0x0], $0xffff;
	v12 =	vmin.u32 v16, $0xFF;
	[tilespmem:s26+$0x12E20] =	vst v7;
	v7 =	vmin.u32 v10, $0xFF  }
0x224: {  	v10 =	vmul.f32 $2.550000000e+02, v17;
	v5 =	vld.idx.msk [tilespmem:v5+s4+$0x0], $0xffff;
	v11 =	vmul.f32 $2.550000000e+02, v11  }
0x225: {  	v15 =	vtrunc.f32 v15;
	v14 =	vtrunc.f32 v14;
	v16 =	vld [tilespmem:s26+$0x65E0]  }
0x226: {  	v10 =	vtrunc.f32 v10;
	[tilespmem:s26+$0x12EB0] =	vst v9;
	v9 =	vtrunc.f32 v11;
	v11 =	vld [tilespmem:s26+$0x66E0]  }
0x227: {  	v15 =	vcvt.f32.s32 v15;
	v4 =	vld.idx.msk [tilespmem:v4+s4+$0x0], $0xffff;
	v9 =	vcvt.f32.s32 v9  }
0x228: {  	v10 =	vcvt.f32.s32 v10;
	[tilespmem:s26+$0x12D30] =	vst v8;
	v8 =	vcvt.f32.s32 v14;
	v14 =	vld [tilespmem:s26+$0x6660]  }
0x229: {  	v15 =	vmin.u32 v15, $0xFF;
	v3 =	vmul.f32 $2.550000000e+02, v3;
	v13 =	vld.idx.msk [tilespmem:v13+s4+$0x0], $0xffff;
	[tilespmem:s26+$0x12DB0] =	vst v6;
	v6 =	vmin.u32 v9, $0xFF  }
0x22a: {  	v9 =	vld.idx.msk [tilespmem:v12+s4+$0x0], $0xffff;
	v8 =	vmin.u32 v8, $0xFF;
	v12 =	vmul.f32 $2.550000000e+02, v16;
	[tilespmem:s26+$0x12E30] =	vst v5;
	v5 =	vmin.u32 v10, $0xFF  }
0x22b: {  	v3 =	vtrunc.f32 v3;
	v7 =	vld.idx.msk [tilespmem:v7+s4+$0x0], $0xffff;
	v10 =	vmul.f32 $2.550000000e+02, v11  }
0x22c: {  	v3 =	vcvt.f32.s32 v3;
	v11 =	vld [tilespmem:s26+$0x6570];
	v12 =	vtrunc.f32 v12  }
0x22d: {  	v14 =	vmul.f32 $2.550000000e+02, v14;
	[tilespmem:s26+$0x12EC0] =	vst v4;
	v4 =	vtrunc.f32 v10;
	v10 =	vld [tilespmem:s26+$0x66F0]  }
0x22e: {  	v16 =	vmin.u32 v3, $0xFF;
	v3 =	vcvt.f32.s32 v12;
	v6 =	vld.idx.msk [tilespmem:v6+s4+$0x0], $0xffff;
	v4 =	vcvt.f32.s32 v4  }
0x22f: {  	[tilespmem:s26+$0x12D40] =	vst v13;
	v12 =	vld [tilespmem:s26+$0x65F0];
	v13 =	vtrunc.f32 v14  }
0x230: {  	v14 =	vld.idx.msk [tilespmem:v15+s4+$0x0], $0xffff;
	[tilespmem:s26+$0x12DC0] =	vst v9;
	v15 =	vmin.u32 v3, $0xFF;
	v3 =	vcvt.f32.s32 v13;
	v4 =	vmin.u32 v4, $0xFF  }
0x231: {  	v9 =	vmul.f32 $2.550000000e+02, v11;
	v8 =	vld.idx.msk [tilespmem:v8+s4+$0x0], $0xffff;
	[tilespmem:s26+$0x12E40] =	vst v7  }
0x232: {  	v11 =	vld.idx.msk [tilespmem:v5+s4+$0x0], $0xffff;
	v13 =	vmin.u32 v3, $0xFF;
	v3 =	vmul.f32 $2.550000000e+02, v10  }
0x233: {  	v7 =	vtrunc.f32 v9;
	v10 =	vld [tilespmem:s26+$0x6670]  }
0x234: {  	v9 =	vmul.f32 $2.550000000e+02, v12;
	[tilespmem:s26+$0x12ED0] =	vst v6;
	v3 =	vtrunc.f32 v3;
	v5 =	vld.idx.msk [tilespmem:v0+s4+$0x0], $0xffff  }
.Ltmp3:
0x235: {  	v0 =	vcvt.f32.s32 v7;
	v4 =	vld.idx.msk [tilespmem:v4+s4+$0x0], $0xffff;
	v7 =	vcvt.f32.s32 v3;
	(pc) =	sbr.rel @p1 .LBB2_5-.Ltmp3, $4  }
0x236: {  	[tilespmem:s26+$0x12D50] =	vst v14;
	v9 =	vtrunc.f32 v9;
	v3 =	vld.idx.msk [tilespmem:v2+s4+$0x0], $0xffff  }
0x237: {  	v0 =	vmin.u32 v0, $0xFF;
	v6 =	vld.idx.msk [tilespmem:v16+s4+$0x0], $0xffff;
	[tilespmem:s26+$0x12DD0] =	vst v8;
	v2 =	vcvt.f32.s32 v9;
	v9 =	vmin.u32 v7, $0xFF  }
0x238: {  	v7 =	vld.idx.msk [tilespmem:v15+s4+$0x0], $0xffff;
	[tilespmem:s26+$0x12E50] =	vst v11;
	v10 =	vmul.f32 $2.550000000e+02, v10  }
0x239: {  	s2 =	sadd.s32 $0x800, s2;
	v2 =	vmin.u32 v2, $0xFF;
	v8 =	vld.idx.msk [tilespmem:v13+s4+$0x0], $0xffff  }
0x23a: {  	v10 =	vtrunc.f32 v10  }
0x23b: {  	v10 =	vcvt.f32.s32 v10;
	_ =	sdelay $0x1  }
0x23c: {  	[tilespmem:s25+$0x12D70] =	vst v5;
	v62 =	vmin.u32 v10, $0xFF  }
0x23d: {  	v1 =	vld.idx.msk [tilespmem:v1+s4+$0x0], $0xffff;
	[tilespmem:s26+$0x12EE0] =	vst v4  }
0x23e: {  	v4 =	vld.idx.msk [tilespmem:v9+s4+$0x0], $0xffff;
	[tilespmem:s26+$0x12D60] =	vst v6  }
0x23f: {  	[tilespmem:s26+$0x12DE0] =	vst v7;
	v0 =	vld.idx.msk [tilespmem:v0+s4+$0x0], $0xffff  }
0x240: {  	[tilespmem:s26+$0x12E60] =	vst v8;
	v2 =	vld.idx.msk [tilespmem:v2+s4+$0x0], $0xffff  }
0x241: {  	[tilespmem:s25+$0x12DF0] =	vst v3;
	v63 =	vld.idx.msk [tilespmem:v62+s4+$0x0], $0xffff  }
0x242: {  	[tilespmem:s25+$0x12E70] =	vst v1  }
.Ltmp4:
0x243: {  	[tilespmem:s26+$0x12EF0] =	vst v4;
	(pc) =	sbr.rel @!p0 .LBB2_8-.Ltmp4, $4  }
0x244: {  	[tilespmem:s26+$0x12D70] =	vst v0  }
0x245: {  	[tilespmem:s26+$0x12DF0] =	vst v2  }
0x246: {  	s1 =	sadd.s32 s3, s0;
	[tilespmem:s26+$0x12E70] =	vst v63  }
0x247: {  	[hbm4b:s1+s12] =	stream.strided.scatter [tilespmem:s20], [sflag:$0x4], $0x6400, s13, s12, $0x38;
	[tilespmem:$0x19100] =	vst v63  }
.Ltmp5:
0x248: {  	(pc) =	sbr.rel .LBB2_2-.Ltmp5, $3  }
0x249: {  	_ =	sdelay $0x1  }
0x24a: {  	s0 =	sadd.s32 s0, s8;
	s24 =	simm.s32 $0x100;
	p0 =	por $0x0, $0x0  }
0x24b: {  	[tilespmem:s15], [sflag:$0x2] =	stream.strided.gather [hbm4b:s0+s12], $0x6400, s13, s12, $0x38;
	[tilespmem:$0x19100] =	vst v63  }
.LBB2_9:
0x24c: {  	_ =	sfence.sel $0x180000  }
0x24d: {  	[bflag:$0x0] =	sbarrier.arrive $0xFFFF  }
0x24e: {  	_ =	strace $0x90000047  }
0x24f: {  	s0 =	stileid.u32;
	[bflag:$0x2] =	sbarrier.arrive $0xFFFF  }
0x250: {  	p0 =	sne.s32 s0, $0x0;
	s0 =	rddreg [dreg:$0x3]  }
0x251: {  	s0 =	sadd.s32 @!p0 $0x100000, s0  }
0x252: {  	[sflag:s0] =	ssyncadd.tile.s32 @!p0 $0x1;
	_ =	shalt  }
.Lfunc_end2:
_tile_overlayer_lowered:
.L_overlay_start_2:
0x253: {  	(tag) =	ssettag $0x2  }
0x254: {  	s0 =	rddreg [dreg:$0x0];
	s2 =	stileid.u32  }
0x255: {  	s1 =	rddreg [dreg:$0x1];
	p0 =	sne.s32 s2, $0x0  }
0x256: {  	s3 =	rddreg [dreg:$0x2];
	[bflag:$0x3] =	sbarrier.arrive $0xFFFF;
	s2 =	simm.s32 @!p0 $0x1C05  }
0x257: {  	[timem:s3], [sflag:s2] =	dma.local @!p0 [hbm:s0], s1  }
0x258: {  	s0 =	simm.s32 @!p0 $0x5  }
0x259: {  	_ =	swait.ge @!p0 [sflag:s0], s1  }
0x25a: {  	s1 =	ssub.s32 @!p0 $0x0, s1;
	[sflag:s0] =	ssyncset.done @!p0 $0x0  }
0x25b: {  	[sflag:s0] =	ssyncadd.s32 @!p0 s1  }
0x25c: {  	[bflag:$0x3] =	sbarrier.arrive $0xFFFF  }
0x25d: {  	_ =	shalt  }

</sc_bundles>
